<compile_context>
chip_gen: v7x
topology: tpu7x:2x2x1
jax: 0.10.2.dev20260603
libtpu: 0.0.44.dev20260713+nightly
codegen_flags: <defaults>
</compile_context>

<pallas_src>
import functools

import jax
import jax.numpy as jnp
from jax import lax
from jax.experimental import pallas as pl
from jax.experimental.pallas import tpu as pltpu
from jax.experimental.pallas import tpu_sc as plsc

N_NODES = 10000
N_NODES_PAD = 10240
EDGES = 320000
NC, NS = 2, 16
PER_SUBCORE = EDGES // NS
NSTREAM = 5
STREAM = PER_SUBCORE // NSTREAM
SLICE = N_NODES_PAD // NS
TAIL = N_NODES - (NS - 1) * SLICE

_mesh = plsc.VectorSubcoreMesh(
    core_axis_name="c", subcore_axis_name="s", num_cores=NC, num_subcores=NS
)


@functools.partial(
    pl.kernel,
    out_type=(
        jax.ShapeDtypeStruct((N_NODES,), jnp.int32),
        jax.ShapeDtypeStruct((N_NODES,), jnp.int32),
    ),
    mesh=_mesh,
    scratch_types=[
        [pltpu.VMEM((STREAM,), jnp.int32) for _ in range(NSTREAM)],
        pltpu.VMEM((STREAM,), jnp.int32),
        pltpu.VMEM((SLICE,), jnp.int32),
        pltpu.VMEM_SHARED((N_NODES_PAD,), jnp.int32),
        pltpu.SemaphoreType.DMA,
        pltpu.SemaphoreType.DMA,
    ],
    compiler_params=pltpu.CompilerParams(use_tc_tiling_on_sc=False),
)
def _degree_sc(edge_hbm, out0_hbm, out1_hbm,
               idx_v, ones_v, zero_v, hist_s, sem, sem2):
    c = lax.axis_index("c")
    s = lax.axis_index("s")

    idx_cps = [
        pltpu.async_copy(
            edge_hbm.at[c, pl.ds(s * PER_SUBCORE + k * STREAM, STREAM)],
            idx_v[k],
            sem,
        )
        for k in range(NSTREAM)
    ]

    def fill_ones(i, carry):
        ones_v[pl.ds(pl.multiple_of(i * 16, 16), 16)] = jnp.full((16,), 1, jnp.int32)
        return carry

    lax.fori_loop(0, STREAM // 16, fill_ones, 0)
    for k in range(SLICE // 16):
        zero_v[pl.ds(k * 16, 16)] = jnp.zeros((16,), jnp.int32)

    pltpu.sync_copy(zero_v, hist_s.at[pl.ds(s * SLICE, SLICE)])
    plsc.subcore_barrier()

    adds = []
    for k in range(NSTREAM):
        idx_cps[k].wait()
        adds.append(
            pltpu.async_copy(ones_v, hist_s.at[idx_v[k]], sem2, add=True)
        )
    for cp in adds:
        cp.wait()
    plsc.subcore_barrier()

    @pl.when(s < NS - 1)
    def _full_slice():
        for dst in (out0_hbm, out1_hbm):
            @pl.when((c == 0) == (dst is out0_hbm))
            def _():
                pltpu.sync_copy(hist_s.at[pl.ds(s * SLICE, SLICE)],
                                dst.at[pl.ds(s * SLICE, SLICE)])

    @pl.when(s == NS - 1)
    def _tail_slice():
        for dst in (out0_hbm, out1_hbm):
            @pl.when((c == 0) == (dst is out0_hbm))
            def _():
                pltpu.sync_copy(hist_s.at[pl.ds((NS - 1) * SLICE, TAIL)],
                                dst.at[pl.ds((NS - 1) * SLICE, TAIL)])


def _copy_body(x_ref, o_ref):
    o_ref[...] = x_ref[...]


_copy_x = pl.pallas_call(
    _copy_body,
    grid=(5,),
    in_specs=[pl.BlockSpec((2000, 128), lambda i: (i, 0))],
    out_specs=pl.BlockSpec((2000, 128), lambda i: (i, 0)),
    out_shape=jax.ShapeDtypeStruct((10000, 128), jnp.float32),
)


def kernel(x, edge_index):
    ei = edge_index.astype(jnp.int32)
    out_degree, in_degree = _degree_sc(ei)
    x_out = _copy_x(x)
    out_dtype = jax.dtypes.canonicalize_dtype(jnp.int64)
    return x_out, in_degree.astype(out_dtype), out_degree.astype(out_dtype)

# --- scband reference (transcript-rebuilt; emitter-appended) ---
"""Pipeline reference for scband-node-degree-1357209666171 (READ-ONLY COPY).

The authoritative reference and input builder live on the scoring server;
editing this copy changes nothing except your own understanding.
"""

import jax, jax.numpy as jnp
import numpy as np

N_NODES = 10000


def setup_inputs(seed: int = 0) -> dict:
    key = jax.random.key(seed)
    k1, k2 = jax.random.split(key)
    x = jax.random.normal(k1, (10000, 128), dtype=jnp.float32)
    edge_index = jax.random.randint(k2, (2, 320000), 0, N_NODES, dtype=jnp.int64)
    return {"x": x, "edge_index": edge_index}


def reference(x, edge_index):
    # NodeDegree: compute in/out degree for the single node set via
    # scatter-add of ones pooled from the single edge set.
    # edge_index[0] = source node ids, edge_index[1] = target node ids.
    n_nodes = x.shape[0]
    src = edge_index[0]
    dst = edge_index[1]
    edge_ones = jnp.ones((edge_index.shape[1],), dtype=jnp.int64)
    # in_degree: pool edges to node at TARGET with reduce 'sum'
    in_degree = jnp.zeros((n_nodes,), dtype=jnp.int64).at[dst].add(edge_ones)
    # out_degree: pool edges to node at SOURCE with reduce 'sum'
    out_degree = jnp.zeros((n_nodes,), dtype=jnp.int64).at[src].add(edge_ones)
    # graph_tensor.replace_features keeps existing node features and adds degrees
    return x, in_degree, out_degree

if __name__ == "__main__":
    import jax
    _d = setup_inputs()
    print(jax.jit(kernel)(*tuple(_d.values())))

</pallas_src>

<mosaic_0001>
#map = affine_map<(d0, d1) -> (0, 0)>
#map1 = affine_map<(d0, d1) -> (0)>
module attributes {stable_mosaic.version = 14 : i64} {
  func.func @_degree_sc(%arg0: i32, %arg1: i32, %arg2: memref<2x320000xi32, #tpu.memory_space<hbm>>, %arg3: memref<10000xi32, #tpu.memory_space<hbm>>, %arg4: memref<10000xi32, #tpu.memory_space<hbm>>, %arg5: memref<4000xi32, #tpu.memory_space<vmem>>, %arg6: memref<4000xi32, #tpu.memory_space<vmem>>, %arg7: memref<4000xi32, #tpu.memory_space<vmem>>, %arg8: memref<4000xi32, #tpu.memory_space<vmem>>, %arg9: memref<4000xi32, #tpu.memory_space<vmem>>, %arg10: memref<4000xi32, #tpu.memory_space<vmem>>, %arg11: memref<640xi32, #tpu.memory_space<vmem>>, %arg12: memref<10240xi32, #tpu.memory_space<vmem_shared>>, %arg13: memref<!tpu.dma_semaphore, #tpu.memory_space<semaphore_mem>>, %arg14: memref<!tpu.dma_semaphore, #tpu.memory_space<semaphore_mem>>) attributes {dimension_semantics = [#tpu.dimension_semantics<core_parallel>, #tpu.dimension_semantics<subcore_parallel>], iteration_bounds = array<i64: 2, 16>, scalar_prefetch = 0 : i64, scratch_operands = 10 : i64, tpu.core_type = #tpu.core_type<sc_vector_subcore>, window_params = [{transform_indices = #map}, {transform_indices = #map1}, {transform_indices = #map1}]} {
    %mul3A = arith.constant 20000 : i32
    %mul3A_0 = arith.muli %arg1, %mul3A : i32
    %add3A = arith.constant 0 : i32
    %add3A_1 = arith.addi %mul3A_0, %add3A : i32
    %dma_start3A = tpu.memref_slice %arg2[%arg0, %add3A_1] : memref<2x320000xi32, #tpu.memory_space<hbm>> -> memref<1x4000xi32, #tpu.memory_space<hbm>>
    %dma_start3A_2 = tpu.memref_squeeze %dma_start3A : memref<1x4000xi32, #tpu.memory_space<hbm>> -> memref<4000xi32, #tpu.memory_space<hbm>>
    %dma_start3A_3 = tpu.memref_slice %arg2[%arg0, %add3A_1] : memref<2x320000xi32, #tpu.memory_space<hbm>> -> memref<1x4000xi32, #tpu.memory_space<hbm>>
    %dma_start3A_4 = tpu.memref_squeeze %dma_start3A_3 : memref<1x4000xi32, #tpu.memory_space<hbm>> -> memref<4000xi32, #tpu.memory_space<hbm>>
    tpu.enqueue_dma source(%dma_start3A_4 : memref<4000xi32, #tpu.memory_space<hbm>>) target(%arg5 : memref<4000xi32, #tpu.memory_space<vmem>>) target_semaphore(%arg13 : memref<!tpu.dma_semaphore, #tpu.memory_space<semaphore_mem>>)
    %mul3A_5 = arith.constant 20000 : i32
    %mul3A_6 = arith.muli %arg1, %mul3A_5 : i32
    %add3A_7 = arith.constant 4000 : i32
    %add3A_8 = arith.addi %mul3A_6, %add3A_7 : i32
    %dma_start3A_9 = tpu.memref_slice %arg2[%arg0, %add3A_8] : memref<2x320000xi32, #tpu.memory_space<hbm>> -> memref<1x4000xi32, #tpu.memory_space<hbm>>
    %dma_start3A_10 = tpu.memref_squeeze %dma_start3A_9 : memref<1x4000xi32, #tpu.memory_space<hbm>> -> memref<4000xi32, #tpu.memory_space<hbm>>
    %dma_start3A_11 = tpu.memref_slice %arg2[%arg0, %add3A_8] : memref<2x320000xi32, #tpu.memory_space<hbm>> -> memref<1x4000xi32, #tpu.memory_space<hbm>>
    %dma_start3A_12 = tpu.memref_squeeze %dma_start3A_11 : memref<1x4000xi32, #tpu.memory_space<hbm>> -> memref<4000xi32, #tpu.memory_space<hbm>>
    tpu.enqueue_dma source(%dma_start3A_12 : memref<4000xi32, #tpu.memory_space<hbm>>) target(%arg6 : memref<4000xi32, #tpu.memory_space<vmem>>) target_semaphore(%arg13 : memref<!tpu.dma_semaphore, #tpu.memory_space<semaphore_mem>>)
    %mul3A_13 = arith.constant 20000 : i32
    %mul3A_14 = arith.muli %arg1, %mul3A_13 : i32
    %add3A_15 = arith.constant 8000 : i32
    %add3A_16 = arith.addi %mul3A_14, %add3A_15 : i32
    %dma_start3A_17 = tpu.memref_slice %arg2[%arg0, %add3A_16] : memref<2x320000xi32, #tpu.memory_space<hbm>> -> memref<1x4000xi32, #tpu.memory_space<hbm>>
    %dma_start3A_18 = tpu.memref_squeeze %dma_start3A_17 : memref<1x4000xi32, #tpu.memory_space<hbm>> -> memref<4000xi32, #tpu.memory_space<hbm>>
    %dma_start3A_19 = tpu.memref_slice %arg2[%arg0, %add3A_16] : memref<2x320000xi32, #tpu.memory_space<hbm>> -> memref<1x4000xi32, #tpu.memory_space<hbm>>
    %dma_start3A_20 = tpu.memref_squeeze %dma_start3A_19 : memref<1x4000xi32, #tpu.memory_space<hbm>> -> memref<4000xi32, #tpu.memory_space<hbm>>
    tpu.enqueue_dma source(%dma_start3A_20 : memref<4000xi32, #tpu.memory_space<hbm>>) target(%arg7 : memref<4000xi32, #tpu.memory_space<vmem>>) target_semaphore(%arg13 : memref<!tpu.dma_semaphore, #tpu.memory_space<semaphore_mem>>)
    %mul3A_21 = arith.constant 20000 : i32
    %mul3A_22 = arith.muli %arg1, %mul3A_21 : i32
    %add3A_23 = arith.constant 12000 : i32
    %add3A_24 = arith.addi %mul3A_22, %add3A_23 : i32
    %dma_start3A_25 = tpu.memref_slice %arg2[%arg0, %add3A_24] : memref<2x320000xi32, #tpu.memory_space<hbm>> -> memref<1x4000xi32, #tpu.memory_space<hbm>>
    %dma_start3A_26 = tpu.memref_squeeze %dma_start3A_25 : memref<1x4000xi32, #tpu.memory_space<hbm>> -> memref<4000xi32, #tpu.memory_space<hbm>>
    %dma_start3A_27 = tpu.memref_slice %arg2[%arg0, %add3A_24] : memref<2x320000xi32, #tpu.memory_space<hbm>> -> memref<1x4000xi32, #tpu.memory_space<hbm>>
    %dma_start3A_28 = tpu.memref_squeeze %dma_start3A_27 : memref<1x4000xi32, #tpu.memory_space<hbm>> -> memref<4000xi32, #tpu.memory_space<hbm>>
    tpu.enqueue_dma source(%dma_start3A_28 : memref<4000xi32, #tpu.memory_space<hbm>>) target(%arg8 : memref<4000xi32, #tpu.memory_space<vmem>>) target_semaphore(%arg13 : memref<!tpu.dma_semaphore, #tpu.memory_space<semaphore_mem>>)
    %mul3A_29 = arith.constant 20000 : i32
    %mul3A_30 = arith.muli %arg1, %mul3A_29 : i32
    %add3A_31 = arith.constant 16000 : i32
    %add3A_32 = arith.addi %mul3A_30, %add3A_31 : i32
    %dma_start3A_33 = tpu.memref_slice %arg2[%arg0, %add3A_32] : memref<2x320000xi32, #tpu.memory_space<hbm>> -> memref<1x4000xi32, #tpu.memory_space<hbm>>
    %dma_start3A_34 = tpu.memref_squeeze %dma_start3A_33 : memref<1x4000xi32, #tpu.memory_space<hbm>> -> memref<4000xi32, #tpu.memory_space<hbm>>
    %dma_start3A_35 = tpu.memref_slice %arg2[%arg0, %add3A_32] : memref<2x320000xi32, #tpu.memory_space<hbm>> -> memref<1x4000xi32, #tpu.memory_space<hbm>>
    %dma_start3A_36 = tpu.memref_squeeze %dma_start3A_35 : memref<1x4000xi32, #tpu.memory_space<hbm>> -> memref<4000xi32, #tpu.memory_space<hbm>>
    tpu.enqueue_dma source(%dma_start3A_36 : memref<4000xi32, #tpu.memory_space<hbm>>) target(%arg9 : memref<4000xi32, #tpu.memory_space<vmem>>) target_semaphore(%arg13 : memref<!tpu.dma_semaphore, #tpu.memory_space<semaphore_mem>>)
    %scan3A = arith.constant 0 : i32
    %scan3A_37 = arith.constant 0 : i32
    %scan3A_38 = arith.constant 250 : i32
    %scan3A_39 = arith.addi %scan3A_37, %scan3A_38 : i32
    %scan3A_40 = arith.constant 1 : i32
    scf.for %scan3A_328 = %scan3A_37 to %scan3A_39 step %scan3A_40  : i32 {
      %broadcast_in_dim3A_329 = arith.constant 1 : i32
      %broadcast_in_dim3A_330 = vector.broadcast %broadcast_in_dim3A_329 : i32 to vector<16xi32>
      %mul3A_331 = arith.constant 16 : i32
      %mul3A_332 = arith.muli %scan3A_328, %mul3A_331 : i32
      %multiple_of3A = tpu.assume_multiple %mul3A_332, 16 : i32
      %swap3A_333 = arith.index_cast %multiple_of3A : i32 to index
      %swap3A_334 = tpu.vector_load %arg10[%swap3A_333] {strides = array<i32>} : memref<4000xi32, #tpu.memory_space<vmem>>, vector<16xi32>,
      %swap3A_335 = vector.shape_cast %swap3A_334 : vector<16xi32> to vector<16xi32>
      %swap3A_336 = vector.shape_cast %broadcast_in_dim3A_330 : vector<16xi32> to vector<16xi32>
      tpu.vector_store %arg10[%swap3A_333], %swap3A_336 {strides = array<i32>} : memref<4000xi32, #tpu.memory_space<vmem>>, vector<16xi32>,
    }
    %scan3A_41 = arith.constant 250 : i32
    %broadcast_in_dim3A = arith.constant 0 : i32
    %broadcast_in_dim3A_42 = vector.broadcast %broadcast_in_dim3A : i32 to vector<16xi32>
    %swap3A = arith.constant 0 : index
    %swap3A_43 = tpu.vector_load %arg11[%swap3A] {strides = array<i32>} : memref<640xi32, #tpu.memory_space<vmem>>, vector<16xi32>,
    %swap3A_44 = vector.shape_cast %swap3A_43 : vector<16xi32> to vector<16xi32>
    %swap3A_45 = vector.shape_cast %broadcast_in_dim3A_42 : vector<16xi32> to vector<16xi32>
    tpu.vector_store %arg11[%swap3A], %swap3A_45 {strides = array<i32>} : memref<640xi32, #tpu.memory_space<vmem>>, vector<16xi32>,
    %broadcast_in_dim3A_46 = arith.constant 0 : i32
    %broadcast_in_dim3A_47 = vector.broadcast %broadcast_in_dim3A_46 : i32 to vector<16xi32>
    %swap3A_48 = arith.constant 16 : index
    %swap3A_49 = tpu.vector_load %arg11[%swap3A_48] {strides = array<i32>} : memref<640xi32, #tpu.memory_space<vmem>>, vector<16xi32>,
    %swap3A_50 = vector.shape_cast %swap3A_49 : vector<16xi32> to vector<16xi32>
    %swap3A_51 = vector.shape_cast %broadcast_in_dim3A_47 : vector<16xi32> to vector<16xi32>
    tpu.vector_store %arg11[%swap3A_48], %swap3A_51 {strides = array<i32>} : memref<640xi32, #tpu.memory_space<vmem>>, vector<16xi32>,
    %broadcast_in_dim3A_52 = arith.constant 0 : i32
    %broadcast_in_dim3A_53 = vector.broadcast %broadcast_in_dim3A_52 : i32 to vector<16xi32>
    %swap3A_54 = arith.constant 32 : index
    %swap3A_55 = tpu.vector_load %arg11[%swap3A_54] {strides = array<i32>} : memref<640xi32, #tpu.memory_space<vmem>>, vector<16xi32>,
    %swap3A_56 = vector.shape_cast %swap3A_55 : vector<16xi32> to vector<16xi32>
    %swap3A_57 = vector.shape_cast %broadcast_in_dim3A_53 : vector<16xi32> to vector<16xi32>
    tpu.vector_store %arg11[%swap3A_54], %swap3A_57 {strides = array<i32>} : memref<640xi32, #tpu.memory_space<vmem>>, vector<16xi32>,
    %broadcast_in_dim3A_58 = arith.constant 0 : i32
    %broadcast_in_dim3A_59 = vector.broadcast %broadcast_in_dim3A_58 : i32 to vector<16xi32>
    %swap3A_60 = arith.constant 48 : index
    %swap3A_61 = tpu.vector_load %arg11[%swap3A_60] {strides = array<i32>} : memref<640xi32, #tpu.memory_space<vmem>>, vector<16xi32>,
    %swap3A_62 = vector.shape_cast %swap3A_61 : vector<16xi32> to vector<16xi32>
    %swap3A_63 = vector.shape_cast %broadcast_in_dim3A_59 : vector<16xi32> to vector<16xi32>
    tpu.vector_store %arg11[%swap3A_60], %swap3A_63 {strides = array<i32>} : memref<640xi32, #tpu.memory_space<vmem>>, vector<16xi32>,
    %broadcast_in_dim3A_64 = arith.constant 0 : i32
    %broadcast_in_dim3A_65 = vector.broadcast %broadcast_in_dim3A_64 : i32 to vector<16xi32>
    %swap3A_66 = arith.constant 64 : index
    %swap3A_67 = tpu.vector_load %arg11[%swap3A_66] {strides = array<i32>} : memref<640xi32, #tpu.memory_space<vmem>>, vector<16xi32>,
    %swap3A_68 = vector.shape_cast %swap3A_67 : vector<16xi32> to vector<16xi32>
    %swap3A_69 = vector.shape_cast %broadcast_in_dim3A_65 : vector<16xi32> to vector<16xi32>
    tpu.vector_store %arg11[%swap3A_66], %swap3A_69 {strides = array<i32>} : memref<640xi32, #tpu.memory_space<vmem>>, vector<16xi32>,
    %broadcast_in_dim3A_70 = arith.constant 0 : i32
    %broadcast_in_dim3A_71 = vector.broadcast %broadcast_in_dim3A_70 : i32 to vector<16xi32>
    %swap3A_72 = arith.constant 80 : index
    %swap3A_73 = tpu.vector_load %arg11[%swap3A_72] {strides = array<i32>} : memref<640xi32, #tpu.memory_space<vmem>>, vector<16xi32>,
    %swap3A_74 = vector.shape_cast %swap3A_73 : vector<16xi32> to vector<16xi32>
    %swap3A_75 = vector.shape_cast %broadcast_in_dim3A_71 : vector<16xi32> to vector<16xi32>
    tpu.vector_store %arg11[%swap3A_72], %swap3A_75 {strides = array<i32>} : memref<640xi32, #tpu.memory_space<vmem>>, vector<16xi32>,
    %broadcast_in_dim3A_76 = arith.constant 0 : i32
    %broadcast_in_dim3A_77 = vector.broadcast %broadcast_in_dim3A_76 : i32 to vector<16xi32>
    %swap3A_78 = arith.constant 96 : index
    %swap3A_79 = tpu.vector_load %arg11[%swap3A_78] {strides = array<i32>} : memref<640xi32, #tpu.memory_space<vmem>>, vector<16xi32>,
    %swap3A_80 = vector.shape_cast %swap3A_79 : vector<16xi32> to vector<16xi32>
    %swap3A_81 = vector.shape_cast %broadcast_in_dim3A_77 : vector<16xi32> to vector<16xi32>
    tpu.vector_store %arg11[%swap3A_78], %swap3A_81 {strides = array<i32>} : memref<640xi32, #tpu.memory_space<vmem>>, vector<16xi32>,
    %broadcast_in_dim3A_82 = arith.constant 0 : i32
    %broadcast_in_dim3A_83 = vector.broadcast %broadcast_in_dim3A_82 : i32 to vector<16xi32>
    %swap3A_84 = arith.constant 112 : index
    %swap3A_85 = tpu.vector_load %arg11[%swap3A_84] {strides = array<i32>} : memref<640xi32, #tpu.memory_space<vmem>>, vector<16xi32>,
    %swap3A_86 = vector.shape_cast %swap3A_85 : vector<16xi32> to vector<16xi32>
    %swap3A_87 = vector.shape_cast %broadcast_in_dim3A_83 : vector<16xi32> to vector<16xi32>
    tpu.vector_store %arg11[%swap3A_84], %swap3A_87 {strides = array<i32>} : memref<640xi32, #tpu.memory_space<vmem>>, vector<16xi32>,
    %broadcast_in_dim3A_88 = arith.constant 0 : i32
    %broadcast_in_dim3A_89 = vector.broadcast %broadcast_in_dim3A_88 : i32 to vector<16xi32>
    %swap3A_90 = arith.constant 128 : index
    %swap3A_91 = tpu.vector_load %arg11[%swap3A_90] {strides = array<i32>} : memref<640xi32, #tpu.memory_space<vmem>>, vector<16xi32>,
    %swap3A_92 = vector.shape_cast %swap3A_91 : vector<16xi32> to vector<16xi32>
    %swap3A_93 = vector.shape_cast %broadcast_in_dim3A_89 : vector<16xi32> to vector<16xi32>
    tpu.vector_store %arg11[%swap3A_90], %swap3A_93 {strides = array<i32>} : memref<640xi32, #tpu.memory_space<vmem>>, vector<16xi32>,
    %broadcast_in_dim3A_94 = arith.constant 0 : i32
    %broadcast_in_dim3A_95 = vector.broadcast %broadcast_in_dim3A_94 : i32 to vector<16xi32>
    %swap3A_96 = arith.constant 144 : index
    %swap3A_97 = tpu.vector_load %arg11[%swap3A_96] {strides = array<i32>} : memref<640xi32, #tpu.memory_space<vmem>>, vector<16xi32>,
    %swap3A_98 = vector.shape_cast %swap3A_97 : vector<16xi32> to vector<16xi32>
    %swap3A_99 = vector.shape_cast %broadcast_in_dim3A_95 : vector<16xi32> to vector<16xi32>
    tpu.vector_store %arg11[%swap3A_96], %swap3A_99 {strides = array<i32>} : memref<640xi32, #tpu.memory_space<vmem>>, vector<16xi32>,
    %broadcast_in_dim3A_100 = arith.constant 0 : i32
    %broadcast_in_dim3A_101 = vector.broadcast %broadcast_in_dim3A_100 : i32 to vector<16xi32>
    %swap3A_102 = arith.constant 160 : index
    %swap3A_103 = tpu.vector_load %arg11[%swap3A_102] {strides = array<i32>} : memref<640xi32, #tpu.memory_space<vmem>>, vector<16xi32>,
    %swap3A_104 = vector.shape_cast %swap3A_103 : vector<16xi32> to vector<16xi32>
    %swap3A_105 = vector.shape_cast %broadcast_in_dim3A_101 : vector<16xi32> to vector<16xi32>
    tpu.vector_store %arg11[%swap3A_102], %swap3A_105 {strides = array<i32>} : memref<640xi32, #tpu.memory_space<vmem>>, vector<16xi32>,
    %broadcast_in_dim3A_106 = arith.constant 0 : i32
    %broadcast_in_dim3A_107 = vector.broadcast %broadcast_in_dim3A_106 : i32 to vector<16xi32>
    %swap3A_108 = arith.constant 176 : index
    %swap3A_109 = tpu.vector_load %arg11[%swap3A_108] {strides = array<i32>} : memref<640xi32, #tpu.memory_space<vmem>>, vector<16xi32>,
    %swap3A_110 = vector.shape_cast %swap3A_109 : vector<16xi32> to vector<16xi32>
    %swap3A_111 = vector.shape_cast %broadcast_in_dim3A_107 : vector<16xi32> to vector<16xi32>
    tpu.vector_store %arg11[%swap3A_108], %swap3A_111 {strides = array<i32>} : memref<640xi32, #tpu.memory_space<vmem>>, vector<16xi32>,
    %broadcast_in_dim3A_112 = arith.constant 0 : i32
    %broadcast_in_dim3A_113 = vector.broadcast %broadcast_in_dim3A_112 : i32 to vector<16xi32>
    %swap3A_114 = arith.constant 192 : index
    %swap3A_115 = tpu.vector_load %arg11[%swap3A_114] {strides = array<i32>} : memref<640xi32, #tpu.memory_space<vmem>>, vector<16xi32>,
    %swap3A_116 = vector.shape_cast %swap3A_115 : vector<16xi32> to vector<16xi32>
    %swap3A_117 = vector.shape_cast %broadcast_in_dim3A_113 : vector<16xi32> to vector<16xi32>
    tpu.vector_store %arg11[%swap3A_114], %swap3A_117 {strides = array<i32>} : memref<640xi32, #tpu.memory_space<vmem>>, vector<16xi32>,
    %broadcast_in_dim3A_118 = arith.constant 0 : i32
    %broadcast_in_dim3A_119 = vector.broadcast %broadcast_in_dim3A_118 : i32 to vector<16xi32>
    %swap3A_120 = arith.constant 208 : index
    %swap3A_121 = tpu.vector_load %arg11[%swap3A_120] {strides = array<i32>} : memref<640xi32, #tpu.memory_space<vmem>>, vector<16xi32>,
    %swap3A_122 = vector.shape_cast %swap3A_121 : vector<16xi32> to vector<16xi32>
    %swap3A_123 = vector.shape_cast %broadcast_in_dim3A_119 : vector<16xi32> to vector<16xi32>
    tpu.vector_store %arg11[%swap3A_120], %swap3A_123 {strides = array<i32>} : memref<640xi32, #tpu.memory_space<vmem>>, vector<16xi32>,
    %broadcast_in_dim3A_124 = arith.constant 0 : i32
    %broadcast_in_dim3A_125 = vector.broadcast %broadcast_in_dim3A_124 : i32 to vector<16xi32>
    %swap3A_126 = arith.constant 224 : index
    %swap3A_127 = tpu.vector_load %arg11[%swap3A_126] {strides = array<i32>} : memref<640xi32, #tpu.memory_space<vmem>>, vector<16xi32>,
    %swap3A_128 = vector.shape_cast %swap3A_127 : vector<16xi32> to vector<16xi32>
    %swap3A_129 = vector.shape_cast %broadcast_in_dim3A_125 : vector<16xi32> to vector<16xi32>
    tpu.vector_store %arg11[%swap3A_126], %swap3A_129 {strides = array<i32>} : memref<640xi32, #tpu.memory_space<vmem>>, vector<16xi32>,
    %broadcast_in_dim3A_130 = arith.constant 0 : i32
    %broadcast_in_dim3A_131 = vector.broadcast %broadcast_in_dim3A_130 : i32 to vector<16xi32>
    %swap3A_132 = arith.constant 240 : index
    %swap3A_133 = tpu.vector_load %arg11[%swap3A_132] {strides = array<i32>} : memref<640xi32, #tpu.memory_space<vmem>>, vector<16xi32>,
    %swap3A_134 = vector.shape_cast %swap3A_133 : vector<16xi32> to vector<16xi32>
    %swap3A_135 = vector.shape_cast %broadcast_in_dim3A_131 : vector<16xi32> to vector<16xi32>
    tpu.vector_store %arg11[%swap3A_132], %swap3A_135 {strides = array<i32>} : memref<640xi32, #tpu.memory_space<vmem>>, vector<16xi32>,
    %broadcast_in_dim3A_136 = arith.constant 0 : i32
    %broadcast_in_dim3A_137 = vector.broadcast %broadcast_in_dim3A_136 : i32 to vector<16xi32>
    %swap3A_138 = arith.constant 256 : index
    %swap3A_139 = tpu.vector_load %arg11[%swap3A_138] {strides = array<i32>} : memref<640xi32, #tpu.memory_space<vmem>>, vector<16xi32>,
    %swap3A_140 = vector.shape_cast %swap3A_139 : vector<16xi32> to vector<16xi32>
    %swap3A_141 = vector.shape_cast %broadcast_in_dim3A_137 : vector<16xi32> to vector<16xi32>
    tpu.vector_store %arg11[%swap3A_138], %swap3A_141 {strides = array<i32>} : memref<640xi32, #tpu.memory_space<vmem>>, vector<16xi32>,
    %broadcast_in_dim3A_142 = arith.constant 0 : i32
    %broadcast_in_dim3A_143 = vector.broadcast %broadcast_in_dim3A_142 : i32 to vector<16xi32>
    %swap3A_144 = arith.constant 272 : index
    %swap3A_145 = tpu.vector_load %arg11[%swap3A_144] {strides = array<i32>} : memref<640xi32, #tpu.memory_space<vmem>>, vector<16xi32>,
    %swap3A_146 = vector.shape_cast %swap3A_145 : vector<16xi32> to vector<16xi32>
    %swap3A_147 = vector.shape_cast %broadcast_in_dim3A_143 : vector<16xi32> to vector<16xi32>
    tpu.vector_store %arg11[%swap3A_144], %swap3A_147 {strides = array<i32>} : memref<640xi32, #tpu.memory_space<vmem>>, vector<16xi32>,
    %broadcast_in_dim3A_148 = arith.constant 0 : i32
    %broadcast_in_dim3A_149 = vector.broadcast %broadcast_in_dim3A_148 : i32 to vector<16xi32>
    %swap3A_150 = arith.constant 288 : index
    %swap3A_151 = tpu.vector_load %arg11[%swap3A_150] {strides = array<i32>} : memref<640xi32, #tpu.memory_space<vmem>>, vector<16xi32>,
    %swap3A_152 = vector.shape_cast %swap3A_151 : vector<16xi32> to vector<16xi32>
    %swap3A_153 = vector.shape_cast %broadcast_in_dim3A_149 : vector<16xi32> to vector<16xi32>
    tpu.vector_store %arg11[%swap3A_150], %swap3A_153 {strides = array<i32>} : memref<640xi32, #tpu.memory_space<vmem>>, vector<16xi32>,
    %broadcast_in_dim3A_154 = arith.constant 0 : i32
    %broadcast_in_dim3A_155 = vector.broadcast %broadcast_in_dim3A_154 : i32 to vector<16xi32>
    %swap3A_156 = arith.constant 304 : index
    %swap3A_157 = tpu.vector_load %arg11[%swap3A_156] {strides = array<i32>} : memref<640xi32, #tpu.memory_space<vmem>>, vector<16xi32>,
    %swap3A_158 = vector.shape_cast %swap3A_157 : vector<16xi32> to vector<16xi32>
    %swap3A_159 = vector.shape_cast %broadcast_in_dim3A_155 : vector<16xi32> to vector<16xi32>
    tpu.vector_store %arg11[%swap3A_156], %swap3A_159 {strides = array<i32>} : memref<640xi32, #tpu.memory_space<vmem>>, vector<16xi32>,
    %broadcast_in_dim3A_160 = arith.constant 0 : i32
    %broadcast_in_dim3A_161 = vector.broadcast %broadcast_in_dim3A_160 : i32 to vector<16xi32>
    %swap3A_162 = arith.constant 320 : index
    %swap3A_163 = tpu.vector_load %arg11[%swap3A_162] {strides = array<i32>} : memref<640xi32, #tpu.memory_space<vmem>>, vector<16xi32>,
    %swap3A_164 = vector.shape_cast %swap3A_163 : vector<16xi32> to vector<16xi32>
    %swap3A_165 = vector.shape_cast %broadcast_in_dim3A_161 : vector<16xi32> to vector<16xi32>
    tpu.vector_store %arg11[%swap3A_162], %swap3A_165 {strides = array<i32>} : memref<640xi32, #tpu.memory_space<vmem>>, vector<16xi32>,
    %broadcast_in_dim3A_166 = arith.constant 0 : i32
    %broadcast_in_dim3A_167 = vector.broadcast %broadcast_in_dim3A_166 : i32 to vector<16xi32>
    %swap3A_168 = arith.constant 336 : index
    %swap3A_169 = tpu.vector_load %arg11[%swap3A_168] {strides = array<i32>} : memref<640xi32, #tpu.memory_space<vmem>>, vector<16xi32>,
    %swap3A_170 = vector.shape_cast %swap3A_169 : vector<16xi32> to vector<16xi32>
    %swap3A_171 = vector.shape_cast %broadcast_in_dim3A_167 : vector<16xi32> to vector<16xi32>
    tpu.vector_store %arg11[%swap3A_168], %swap3A_171 {strides = array<i32>} : memref<640xi32, #tpu.memory_space<vmem>>, vector<16xi32>,
    %broadcast_in_dim3A_172 = arith.constant 0 : i32
    %broadcast_in_dim3A_173 = vector.broadcast %broadcast_in_dim3A_172 : i32 to vector<16xi32>
    %swap3A_174 = arith.constant 352 : index
    %swap3A_175 = tpu.vector_load %arg11[%swap3A_174] {strides = array<i32>} : memref<640xi32, #tpu.memory_space<vmem>>, vector<16xi32>,
    %swap3A_176 = vector.shape_cast %swap3A_175 : vector<16xi32> to vector<16xi32>
    %swap3A_177 = vector.shape_cast %broadcast_in_dim3A_173 : vector<16xi32> to vector<16xi32>
    tpu.vector_store %arg11[%swap3A_174], %swap3A_177 {strides = array<i32>} : memref<640xi32, #tpu.memory_space<vmem>>, vector<16xi32>,
    %broadcast_in_dim3A_178 = arith.constant 0 : i32
    %broadcast_in_dim3A_179 = vector.broadcast %broadcast_in_dim3A_178 : i32 to vector<16xi32>
    %swap3A_180 = arith.constant 368 : index
    %swap3A_181 = tpu.vector_load %arg11[%swap3A_180] {strides = array<i32>} : memref<640xi32, #tpu.memory_space<vmem>>, vector<16xi32>,
    %swap3A_182 = vector.shape_cast %swap3A_181 : vector<16xi32> to vector<16xi32>
    %swap3A_183 = vector.shape_cast %broadcast_in_dim3A_179 : vector<16xi32> to vector<16xi32>
    tpu.vector_store %arg11[%swap3A_180], %swap3A_183 {strides = array<i32>} : memref<640xi32, #tpu.memory_space<vmem>>, vector<16xi32>,
    %broadcast_in_dim3A_184 = arith.constant 0 : i32
    %broadcast_in_dim3A_185 = vector.broadcast %broadcast_in_dim3A_184 : i32 to vector<16xi32>
    %swap3A_186 = arith.constant 384 : index
    %swap3A_187 = tpu.vector_load %arg11[%swap3A_186] {strides = array<i32>} : memref<640xi32, #tpu.memory_space<vmem>>, vector<16xi32>,
    %swap3A_188 = vector.shape_cast %swap3A_187 : vector<16xi32> to vector<16xi32>
    %swap3A_189 = vector.shape_cast %broadcast_in_dim3A_185 : vector<16xi32> to vector<16xi32>
    tpu.vector_store %arg11[%swap3A_186], %swap3A_189 {strides = array<i32>} : memref<640xi32, #tpu.memory_space<vmem>>, vector<16xi32>,
    %broadcast_in_dim3A_190 = arith.constant 0 : i32
    %broadcast_in_dim3A_191 = vector.broadcast %broadcast_in_dim3A_190 : i32 to vector<16xi32>
    %swap3A_192 = arith.constant 400 : index
    %swap3A_193 = tpu.vector_load %arg11[%swap3A_192] {strides = array<i32>} : memref<640xi32, #tpu.memory_space<vmem>>, vector<16xi32>,
    %swap3A_194 = vector.shape_cast %swap3A_193 : vector<16xi32> to vector<16xi32>
    %swap3A_195 = vector.shape_cast %broadcast_in_dim3A_191 : vector<16xi32> to vector<16xi32>
    tpu.vector_store %arg11[%swap3A_192], %swap3A_195 {strides = array<i32>} : memref<640xi32, #tpu.memory_space<vmem>>, vector<16xi32>,
    %broadcast_in_dim3A_196 = arith.constant 0 : i32
    %broadcast_in_dim3A_197 = vector.broadcast %broadcast_in_dim3A_196 : i32 to vector<16xi32>
    %swap3A_198 = arith.constant 416 : index
    %swap3A_199 = tpu.vector_load %arg11[%swap3A_198] {strides = array<i32>} : memref<640xi32, #tpu.memory_space<vmem>>, vector<16xi32>,
    %swap3A_200 = vector.shape_cast %swap3A_199 : vector<16xi32> to vector<16xi32>
    %swap3A_201 = vector.shape_cast %broadcast_in_dim3A_197 : vector<16xi32> to vector<16xi32>
    tpu.vector_store %arg11[%swap3A_198], %swap3A_201 {strides = array<i32>} : memref<640xi32, #tpu.memory_space<vmem>>, vector<16xi32>,
    %broadcast_in_dim3A_202 = arith.constant 0 : i32
    %broadcast_in_dim3A_203 = vector.broadcast %broadcast_in_dim3A_202 : i32 to vector<16xi32>
    %swap3A_204 = arith.constant 432 : index
    %swap3A_205 = tpu.vector_load %arg11[%swap3A_204] {strides = array<i32>} : memref<640xi32, #tpu.memory_space<vmem>>, vector<16xi32>,
    %swap3A_206 = vector.shape_cast %swap3A_205 : vector<16xi32> to vector<16xi32>
    %swap3A_207 = vector.shape_cast %broadcast_in_dim3A_203 : vector<16xi32> to vector<16xi32>
    tpu.vector_store %arg11[%swap3A_204], %swap3A_207 {strides = array<i32>} : memref<640xi32, #tpu.memory_space<vmem>>, vector<16xi32>,
    %broadcast_in_dim3A_208 = arith.constant 0 : i32
    %broadcast_in_dim3A_209 = vector.broadcast %broadcast_in_dim3A_208 : i32 to vector<16xi32>
    %swap3A_210 = arith.constant 448 : index
    %swap3A_211 = tpu.vector_load %arg11[%swap3A_210] {strides = array<i32>} : memref<640xi32, #tpu.memory_space<vmem>>, vector<16xi32>,
    %swap3A_212 = vector.shape_cast %swap3A_211 : vector<16xi32> to vector<16xi32>
    %swap3A_213 = vector.shape_cast %broadcast_in_dim3A_209 : vector<16xi32> to vector<16xi32>
    tpu.vector_store %arg11[%swap3A_210], %swap3A_213 {strides = array<i32>} : memref<640xi32, #tpu.memory_space<vmem>>, vector<16xi32>,
    %broadcast_in_dim3A_214 = arith.constant 0 : i32
    %broadcast_in_dim3A_215 = vector.broadcast %broadcast_in_dim3A_214 : i32 to vector<16xi32>
    %swap3A_216 = arith.constant 464 : index
    %swap3A_217 = tpu.vector_load %arg11[%swap3A_216] {strides = array<i32>} : memref<640xi32, #tpu.memory_space<vmem>>, vector<16xi32>,
    %swap3A_218 = vector.shape_cast %swap3A_217 : vector<16xi32> to vector<16xi32>
    %swap3A_219 = vector.shape_cast %broadcast_in_dim3A_215 : vector<16xi32> to vector<16xi32>
    tpu.vector_store %arg11[%swap3A_216], %swap3A_219 {strides = array<i32>} : memref<640xi32, #tpu.memory_space<vmem>>, vector<16xi32>,
    %broadcast_in_dim3A_220 = arith.constant 0 : i32
    %broadcast_in_dim3A_221 = vector.broadcast %broadcast_in_dim3A_220 : i32 to vector<16xi32>
    %swap3A_222 = arith.constant 480 : index
    %swap3A_223 = tpu.vector_load %arg11[%swap3A_222] {strides = array<i32>} : memref<640xi32, #tpu.memory_space<vmem>>, vector<16xi32>,
    %swap3A_224 = vector.shape_cast %swap3A_223 : vector<16xi32> to vector<16xi32>
    %swap3A_225 = vector.shape_cast %broadcast_in_dim3A_221 : vector<16xi32> to vector<16xi32>
    tpu.vector_store %arg11[%swap3A_222], %swap3A_225 {strides = array<i32>} : memref<640xi32, #tpu.memory_space<vmem>>, vector<16xi32>,
    %broadcast_in_dim3A_226 = arith.constant 0 : i32
    %broadcast_in_dim3A_227 = vector.broadcast %broadcast_in_dim3A_226 : i32 to vector<16xi32>
    %swap3A_228 = arith.constant 496 : index
    %swap3A_229 = tpu.vector_load %arg11[%swap3A_228] {strides = array<i32>} : memref<640xi32, #tpu.memory_space<vmem>>, vector<16xi32>,
    %swap3A_230 = vector.shape_cast %swap3A_229 : vector<16xi32> to vector<16xi32>
    %swap3A_231 = vector.shape_cast %broadcast_in_dim3A_227 : vector<16xi32> to vector<16xi32>
    tpu.vector_store %arg11[%swap3A_228], %swap3A_231 {strides = array<i32>} : memref<640xi32, #tpu.memory_space<vmem>>, vector<16xi32>,
    %broadcast_in_dim3A_232 = arith.constant 0 : i32
    %broadcast_in_dim3A_233 = vector.broadcast %broadcast_in_dim3A_232 : i32 to vector<16xi32>
    %swap3A_234 = arith.constant 512 : index
    %swap3A_235 = tpu.vector_load %arg11[%swap3A_234] {strides = array<i32>} : memref<640xi32, #tpu.memory_space<vmem>>, vector<16xi32>,
    %swap3A_236 = vector.shape_cast %swap3A_235 : vector<16xi32> to vector<16xi32>
    %swap3A_237 = vector.shape_cast %broadcast_in_dim3A_233 : vector<16xi32> to vector<16xi32>
    tpu.vector_store %arg11[%swap3A_234], %swap3A_237 {strides = array<i32>} : memref<640xi32, #tpu.memory_space<vmem>>, vector<16xi32>,
    %broadcast_in_dim3A_238 = arith.constant 0 : i32
    %broadcast_in_dim3A_239 = vector.broadcast %broadcast_in_dim3A_238 : i32 to vector<16xi32>
    %swap3A_240 = arith.constant 528 : index
    %swap3A_241 = tpu.vector_load %arg11[%swap3A_240] {strides = array<i32>} : memref<640xi32, #tpu.memory_space<vmem>>, vector<16xi32>,
    %swap3A_242 = vector.shape_cast %swap3A_241 : vector<16xi32> to vector<16xi32>
    %swap3A_243 = vector.shape_cast %broadcast_in_dim3A_239 : vector<16xi32> to vector<16xi32>
    tpu.vector_store %arg11[%swap3A_240], %swap3A_243 {strides = array<i32>} : memref<640xi32, #tpu.memory_space<vmem>>, vector<16xi32>,
    %broadcast_in_dim3A_244 = arith.constant 0 : i32
    %broadcast_in_dim3A_245 = vector.broadcast %broadcast_in_dim3A_244 : i32 to vector<16xi32>
    %swap3A_246 = arith.constant 544 : index
    %swap3A_247 = tpu.vector_load %arg11[%swap3A_246] {strides = array<i32>} : memref<640xi32, #tpu.memory_space<vmem>>, vector<16xi32>,
    %swap3A_248 = vector.shape_cast %swap3A_247 : vector<16xi32> to vector<16xi32>
    %swap3A_249 = vector.shape_cast %broadcast_in_dim3A_245 : vector<16xi32> to vector<16xi32>
    tpu.vector_store %arg11[%swap3A_246], %swap3A_249 {strides = array<i32>} : memref<640xi32, #tpu.memory_space<vmem>>, vector<16xi32>,
    %broadcast_in_dim3A_250 = arith.constant 0 : i32
    %broadcast_in_dim3A_251 = vector.broadcast %broadcast_in_dim3A_250 : i32 to vector<16xi32>
    %swap3A_252 = arith.constant 560 : index
    %swap3A_253 = tpu.vector_load %arg11[%swap3A_252] {strides = array<i32>} : memref<640xi32, #tpu.memory_space<vmem>>, vector<16xi32>,
    %swap3A_254 = vector.shape_cast %swap3A_253 : vector<16xi32> to vector<16xi32>
    %swap3A_255 = vector.shape_cast %broadcast_in_dim3A_251 : vector<16xi32> to vector<16xi32>
    tpu.vector_store %arg11[%swap3A_252], %swap3A_255 {strides = array<i32>} : memref<640xi32, #tpu.memory_space<vmem>>, vector<16xi32>,
    %broadcast_in_dim3A_256 = arith.constant 0 : i32
    %broadcast_in_dim3A_257 = vector.broadcast %broadcast_in_dim3A_256 : i32 to vector<16xi32>
    %swap3A_258 = arith.constant 576 : index
    %swap3A_259 = tpu.vector_load %arg11[%swap3A_258] {strides = array<i32>} : memref<640xi32, #tpu.memory_space<vmem>>, vector<16xi32>,
    %swap3A_260 = vector.shape_cast %swap3A_259 : vector<16xi32> to vector<16xi32>
    %swap3A_261 = vector.shape_cast %broadcast_in_dim3A_257 : vector<16xi32> to vector<16xi32>
    tpu.vector_store %arg11[%swap3A_258], %swap3A_261 {strides = array<i32>} : memref<640xi32, #tpu.memory_space<vmem>>, vector<16xi32>,
    %broadcast_in_dim3A_262 = arith.constant 0 : i32
    %broadcast_in_dim3A_263 = vector.broadcast %broadcast_in_dim3A_262 : i32 to vector<16xi32>
    %swap3A_264 = arith.constant 592 : index
    %swap3A_265 = tpu.vector_load %arg11[%swap3A_264] {strides = array<i32>} : memref<640xi32, #tpu.memory_space<vmem>>, vector<16xi32>,
    %swap3A_266 = vector.shape_cast %swap3A_265 : vector<16xi32> to vector<16xi32>
    %swap3A_267 = vector.shape_cast %broadcast_in_dim3A_263 : vector<16xi32> to vector<16xi32>
    tpu.vector_store %arg11[%swap3A_264], %swap3A_267 {strides = array<i32>} : memref<640xi32, #tpu.memory_space<vmem>>, vector<16xi32>,
    %broadcast_in_dim3A_268 = arith.constant 0 : i32
    %broadcast_in_dim3A_269 = vector.broadcast %broadcast_in_dim3A_268 : i32 to vector<16xi32>
    %swap3A_270 = arith.constant 608 : index
    %swap3A_271 = tpu.vector_load %arg11[%swap3A_270] {strides = array<i32>} : memref<640xi32, #tpu.memory_space<vmem>>, vector<16xi32>,
    %swap3A_272 = vector.shape_cast %swap3A_271 : vector<16xi32> to vector<16xi32>
    %swap3A_273 = vector.shape_cast %broadcast_in_dim3A_269 : vector<16xi32> to vector<16xi32>
    tpu.vector_store %arg11[%swap3A_270], %swap3A_273 {strides = array<i32>} : memref<640xi32, #tpu.memory_space<vmem>>, vector<16xi32>,
    %broadcast_in_dim3A_274 = arith.constant 0 : i32
    %broadcast_in_dim3A_275 = vector.broadcast %broadcast_in_dim3A_274 : i32 to vector<16xi32>
    %swap3A_276 = arith.constant 624 : index
    %swap3A_277 = tpu.vector_load %arg11[%swap3A_276] {strides = array<i32>} : memref<640xi32, #tpu.memory_space<vmem>>, vector<16xi32>,
    %swap3A_278 = vector.shape_cast %swap3A_277 : vector<16xi32> to vector<16xi32>
    %swap3A_279 = vector.shape_cast %broadcast_in_dim3A_275 : vector<16xi32> to vector<16xi32>
    tpu.vector_store %arg11[%swap3A_276], %swap3A_279 {strides = array<i32>} : memref<640xi32, #tpu.memory_space<vmem>>, vector<16xi32>,
    %mul3A_280 = arith.constant 640 : i32
    %mul3A_281 = arith.muli %arg1, %mul3A_280 : i32
    "tpu.region"() ({
      %run_scoped3A = tpu.sem_alloc : memref<!tpu.dma_semaphore, #tpu.memory_space<semaphore_mem>>
      %dma_start3A_328 = tpu.memref_slice %arg12[%mul3A_281] : memref<10240xi32, #tpu.memory_space<vmem_shared>> -> memref<640xi32, #tpu.memory_space<vmem_shared>>
      %dma_start3A_329 = tpu.memref_slice %arg12[%mul3A_281] : memref<10240xi32, #tpu.memory_space<vmem_shared>> -> memref<640xi32, #tpu.memory_space<vmem_shared>>
      tpu.enqueue_dma source(%arg11 : memref<640xi32, #tpu.memory_space<vmem>>) target(%dma_start3A_329 : memref<640xi32, #tpu.memory_space<vmem_shared>>) target_semaphore(%run_scoped3A : memref<!tpu.dma_semaphore, #tpu.memory_space<semaphore_mem>>)
      %dma_wait3A_330 = tpu.memref_slice %arg12[%mul3A_281] : memref<10240xi32, #tpu.memory_space<vmem_shared>> -> memref<640xi32, #tpu.memory_space<vmem_shared>>
      %dma_wait3A_331 = tpu.memref_slice %arg12[%mul3A_281] : memref<10240xi32, #tpu.memory_space<vmem_shared>> -> memref<640xi32, #tpu.memory_space<vmem_shared>>
      tpu.wait_dma2 semaphore(%run_scoped3A : memref<!tpu.dma_semaphore, #tpu.memory_space<semaphore_mem>>) src(%arg11 : memref<640xi32, #tpu.memory_space<vmem>>) dst(%dma_wait3A_331 : memref<640xi32, #tpu.memory_space<vmem_shared>>)
      tpu.yield
    }) : () -> ()
    %barrier3A = arith.constant 0 : index
    tpu.barrier barrier_id(%barrier3A)
    %dma_wait3A = tpu.memref_slice %arg2[%arg0, %add3A_1] : memref<2x320000xi32, #tpu.memory_space<hbm>> -> memref<1x4000xi32, #tpu.memory_space<hbm>>
    %dma_wait3A_282 = tpu.memref_squeeze %dma_wait3A : memref<1x4000xi32, #tpu.memory_space<hbm>> -> memref<4000xi32, #tpu.memory_space<hbm>>
    %dma_wait3A_283 = tpu.memref_slice %arg2[%arg0, %add3A_1] : memref<2x320000xi32, #tpu.memory_space<hbm>> -> memref<1x4000xi32, #tpu.memory_space<hbm>>
    %dma_wait3A_284 = tpu.memref_squeeze %dma_wait3A_283 : memref<1x4000xi32, #tpu.memory_space<hbm>> -> memref<4000xi32, #tpu.memory_space<hbm>>
    tpu.wait_dma2 semaphore(%arg13 : memref<!tpu.dma_semaphore, #tpu.memory_space<semaphore_mem>>) src(%dma_wait3A_284 : memref<4000xi32, #tpu.memory_space<hbm>>) dst(%arg5 : memref<4000xi32, #tpu.memory_space<vmem>>)
    %dma_start3A_285 = arith.constant 0 : i32
    %dma_start3A_286 = tpu.memref_slice %arg12[%dma_start3A_285] : memref<10240xi32, #tpu.memory_space<vmem_shared>> -> memref<10240xi32, #tpu.memory_space<vmem_shared>>
    tpu.enqueue_indirect_dma source(%arg10 : memref<4000xi32, #tpu.memory_space<vmem>>) target(%dma_start3A_286 : memref<10240xi32, #tpu.memory_space<vmem_shared>>) offsets(%arg5 : memref<4000xi32, #tpu.memory_space<vmem>>) semaphore(%arg14 : memref<!tpu.dma_semaphore, #tpu.memory_space<semaphore_mem>>) {add = true}
    %dma_wait3A_287 = tpu.memref_slice %arg2[%arg0, %add3A_8] : memref<2x320000xi32, #tpu.memory_space<hbm>> -> memref<1x4000xi32, #tpu.memory_space<hbm>>
    %dma_wait3A_288 = tpu.memref_squeeze %dma_wait3A_287 : memref<1x4000xi32, #tpu.memory_space<hbm>> -> memref<4000xi32, #tpu.memory_space<hbm>>
    %dma_wait3A_289 = tpu.memref_slice %arg2[%arg0, %add3A_8] : memref<2x320000xi32, #tpu.memory_space<hbm>> -> memref<1x4000xi32, #tpu.memory_space<hbm>>
    %dma_wait3A_290 = tpu.memref_squeeze %dma_wait3A_289 : memref<1x4000xi32, #tpu.memory_space<hbm>> -> memref<4000xi32, #tpu.memory_space<hbm>>
    tpu.wait_dma2 semaphore(%arg13 : memref<!tpu.dma_semaphore, #tpu.memory_space<semaphore_mem>>) src(%dma_wait3A_290 : memref<4000xi32, #tpu.memory_space<hbm>>) dst(%arg6 : memref<4000xi32, #tpu.memory_space<vmem>>)
    %dma_start3A_291 = arith.constant 0 : i32
    %dma_start3A_292 = tpu.memref_slice %arg12[%dma_start3A_291] : memref<10240xi32, #tpu.memory_space<vmem_shared>> -> memref<10240xi32, #tpu.memory_space<vmem_shared>>
    tpu.enqueue_indirect_dma source(%arg10 : memref<4000xi32, #tpu.memory_space<vmem>>) target(%dma_start3A_292 : memref<10240xi32, #tpu.memory_space<vmem_shared>>) offsets(%arg6 : memref<4000xi32, #tpu.memory_space<vmem>>) semaphore(%arg14 : memref<!tpu.dma_semaphore, #tpu.memory_space<semaphore_mem>>) {add = true}
    %dma_wait3A_293 = tpu.memref_slice %arg2[%arg0, %add3A_16] : memref<2x320000xi32, #tpu.memory_space<hbm>> -> memref<1x4000xi32, #tpu.memory_space<hbm>>
    %dma_wait3A_294 = tpu.memref_squeeze %dma_wait3A_293 : memref<1x4000xi32, #tpu.memory_space<hbm>> -> memref<4000xi32, #tpu.memory_space<hbm>>
    %dma_wait3A_295 = tpu.memref_slice %arg2[%arg0, %add3A_16] : memref<2x320000xi32, #tpu.memory_space<hbm>> -> memref<1x4000xi32, #tpu.memory_space<hbm>>
    %dma_wait3A_296 = tpu.memref_squeeze %dma_wait3A_295 : memref<1x4000xi32, #tpu.memory_space<hbm>> -> memref<4000xi32, #tpu.memory_space<hbm>>
    tpu.wait_dma2 semaphore(%arg13 : memref<!tpu.dma_semaphore, #tpu.memory_space<semaphore_mem>>) src(%dma_wait3A_296 : memref<4000xi32, #tpu.memory_space<hbm>>) dst(%arg7 : memref<4000xi32, #tpu.memory_space<vmem>>)
    %dma_start3A_297 = arith.constant 0 : i32
    %dma_start3A_298 = tpu.memref_slice %arg12[%dma_start3A_297] : memref<10240xi32, #tpu.memory_space<vmem_shared>> -> memref<10240xi32, #tpu.memory_space<vmem_shared>>
    tpu.enqueue_indirect_dma source(%arg10 : memref<4000xi32, #tpu.memory_space<vmem>>) target(%dma_start3A_298 : memref<10240xi32, #tpu.memory_space<vmem_shared>>) offsets(%arg7 : memref<4000xi32, #tpu.memory_space<vmem>>) semaphore(%arg14 : memref<!tpu.dma_semaphore, #tpu.memory_space<semaphore_mem>>) {add = true}
    %dma_wait3A_299 = tpu.memref_slice %arg2[%arg0, %add3A_24] : memref<2x320000xi32, #tpu.memory_space<hbm>> -> memref<1x4000xi32, #tpu.memory_space<hbm>>
    %dma_wait3A_300 = tpu.memref_squeeze %dma_wait3A_299 : memref<1x4000xi32, #tpu.memory_space<hbm>> -> memref<4000xi32, #tpu.memory_space<hbm>>
    %dma_wait3A_301 = tpu.memref_slice %arg2[%arg0, %add3A_24] : memref<2x320000xi32, #tpu.memory_space<hbm>> -> memref<1x4000xi32, #tpu.memory_space<hbm>>
    %dma_wait3A_302 = tpu.memref_squeeze %dma_wait3A_301 : memref<1x4000xi32, #tpu.memory_space<hbm>> -> memref<4000xi32, #tpu.memory_space<hbm>>
    tpu.wait_dma2 semaphore(%arg13 : memref<!tpu.dma_semaphore, #tpu.memory_space<semaphore_mem>>) src(%dma_wait3A_302 : memref<4000xi32, #tpu.memory_space<hbm>>) dst(%arg8 : memref<4000xi32, #tpu.memory_space<vmem>>)
    %dma_start3A_303 = arith.constant 0 : i32
    %dma_start3A_304 = tpu.memref_slice %arg12[%dma_start3A_303] : memref<10240xi32, #tpu.memory_space<vmem_shared>> -> memref<10240xi32, #tpu.memory_space<vmem_shared>>
    tpu.enqueue_indirect_dma source(%arg10 : memref<4000xi32, #tpu.memory_space<vmem>>) target(%dma_start3A_304 : memref<10240xi32, #tpu.memory_space<vmem_shared>>) offsets(%arg8 : memref<4000xi32, #tpu.memory_space<vmem>>) semaphore(%arg14 : memref<!tpu.dma_semaphore, #tpu.memory_space<semaphore_mem>>) {add = true}
    %dma_wait3A_305 = tpu.memref_slice %arg2[%arg0, %add3A_32] : memref<2x320000xi32, #tpu.memory_space<hbm>> -> memref<1x4000xi32, #tpu.memory_space<hbm>>
    %dma_wait3A_306 = tpu.memref_squeeze %dma_wait3A_305 : memref<1x4000xi32, #tpu.memory_space<hbm>> -> memref<4000xi32, #tpu.memory_space<hbm>>
    %dma_wait3A_307 = tpu.memref_slice %arg2[%arg0, %add3A_32] : memref<2x320000xi32, #tpu.memory_space<hbm>> -> memref<1x4000xi32, #tpu.memory_space<hbm>>
    %dma_wait3A_308 = tpu.memref_squeeze %dma_wait3A_307 : memref<1x4000xi32, #tpu.memory_space<hbm>> -> memref<4000xi32, #tpu.memory_space<hbm>>
    tpu.wait_dma2 semaphore(%arg13 : memref<!tpu.dma_semaphore, #tpu.memory_space<semaphore_mem>>) src(%dma_wait3A_308 : memref<4000xi32, #tpu.memory_space<hbm>>) dst(%arg9 : memref<4000xi32, #tpu.memory_space<vmem>>)
    %dma_start3A_309 = arith.constant 0 : i32
    %dma_start3A_310 = tpu.memref_slice %arg12[%dma_start3A_309] : memref<10240xi32, #tpu.memory_space<vmem_shared>> -> memref<10240xi32, #tpu.memory_space<vmem_shared>>
    tpu.enqueue_indirect_dma source(%arg10 : memref<4000xi32, #tpu.memory_space<vmem>>) target(%dma_start3A_310 : memref<10240xi32, #tpu.memory_space<vmem_shared>>) offsets(%arg9 : memref<4000xi32, #tpu.memory_space<vmem>>) semaphore(%arg14 : memref<!tpu.dma_semaphore, #tpu.memory_space<semaphore_mem>>) {add = true}
    %dma_wait3A_311 = arith.constant 0 : i32
    %dma_wait3A_312 = tpu.memref_slice %arg12[%dma_wait3A_311] : memref<10240xi32, #tpu.memory_space<vmem_shared>> -> memref<10240xi32, #tpu.memory_space<vmem_shared>>
    tpu.wait_indirect_dma semaphore(%arg14 : memref<!tpu.dma_semaphore, #tpu.memory_space<semaphore_mem>>) src(%arg10 : memref<4000xi32, #tpu.memory_space<vmem>>) dst(%dma_wait3A_312 : memref<10240xi32, #tpu.memory_space<vmem_shared>>)
    %dma_wait3A_313 = arith.constant 0 : i32
    %dma_wait3A_314 = tpu.memref_slice %arg12[%dma_wait3A_313] : memref<10240xi32, #tpu.memory_space<vmem_shared>> -> memref<10240xi32, #tpu.memory_space<vmem_shared>>
    tpu.wait_indirect_dma semaphore(%arg14 : memref<!tpu.dma_semaphore, #tpu.memory_space<semaphore_mem>>) src(%arg10 : memref<4000xi32, #tpu.memory_space<vmem>>) dst(%dma_wait3A_314 : memref<10240xi32, #tpu.memory_space<vmem_shared>>)
    %dma_wait3A_315 = arith.constant 0 : i32
    %dma_wait3A_316 = tpu.memref_slice %arg12[%dma_wait3A_315] : memref<10240xi32, #tpu.memory_space<vmem_shared>> -> memref<10240xi32, #tpu.memory_space<vmem_shared>>
    tpu.wait_indirect_dma semaphore(%arg14 : memref<!tpu.dma_semaphore, #tpu.memory_space<semaphore_mem>>) src(%arg10 : memref<4000xi32, #tpu.memory_space<vmem>>) dst(%dma_wait3A_316 : memref<10240xi32, #tpu.memory_space<vmem_shared>>)
    %dma_wait3A_317 = arith.constant 0 : i32
    %dma_wait3A_318 = tpu.memref_slice %arg12[%dma_wait3A_317] : memref<10240xi32, #tpu.memory_space<vmem_shared>> -> memref<10240xi32, #tpu.memory_space<vmem_shared>>
    tpu.wait_indirect_dma semaphore(%arg14 : memref<!tpu.dma_semaphore, #tpu.memory_space<semaphore_mem>>) src(%arg10 : memref<4000xi32, #tpu.memory_space<vmem>>) dst(%dma_wait3A_318 : memref<10240xi32, #tpu.memory_space<vmem_shared>>)
    %dma_wait3A_319 = arith.constant 0 : i32
    %dma_wait3A_320 = tpu.memref_slice %arg12[%dma_wait3A_319] : memref<10240xi32, #tpu.memory_space<vmem_shared>> -> memref<10240xi32, #tpu.memory_space<vmem_shared>>
    tpu.wait_indirect_dma semaphore(%arg14 : memref<!tpu.dma_semaphore, #tpu.memory_space<semaphore_mem>>) src(%arg10 : memref<4000xi32, #tpu.memory_space<vmem>>) dst(%dma_wait3A_320 : memref<10240xi32, #tpu.memory_space<vmem_shared>>)
    %barrier3A_321 = arith.constant 0 : index
    tpu.barrier barrier_id(%barrier3A_321)
    %lt3A = arith.constant 15 : i32
    %lt3A_322 = arith.cmpi slt, %arg1, %lt3A : i32
    %convert_element_type3A = arith.extui %lt3A_322 : i1 to i32
    %cond3A = arith.constant 0 : i32
    %cond3A_323 = arith.cmpi ne, %convert_element_type3A, %cond3A : i32
    scf.if %cond3A_323 {
      %eq3A_328 = arith.constant 0 : i32
      %eq3A_329 = arith.cmpi eq, %arg0, %eq3A_328 : i32
      %eq3A_330 = arith.constant true
      %eq3A_331 = arith.xori %eq3A_329, %eq3A_330 : i1
      %eq3A_332 = arith.constant true
      %eq3A_333 = arith.xori %eq3A_331, %eq3A_332 : i1
      %convert_element_type3A_334 = arith.extui %eq3A_333 : i1 to i32
      %cond3A_335 = arith.constant 0 : i32
      %cond3A_336 = arith.cmpi ne, %convert_element_type3A_334, %cond3A_335 : i32
      scf.if %cond3A_336 {
        %mul3A_346 = arith.constant 640 : i32
        %mul3A_347 = arith.muli %arg1, %mul3A_346 : i32
        %mul3A_348 = arith.constant 640 : i32
        %mul3A_349 = arith.muli %arg1, %mul3A_348 : i32
        "tpu.region"() ({
          %run_scoped3A = tpu.sem_alloc : memref<!tpu.dma_semaphore, #tpu.memory_space<semaphore_mem>>
          %dma_start3A_350 = tpu.memref_slice %arg3[%mul3A_349] : memref<10000xi32, #tpu.memory_space<hbm>> -> memref<640xi32, #tpu.memory_space<hbm>>
          %dma_start3A_351 = tpu.memref_slice %arg12[%mul3A_347] : memref<10240xi32, #tpu.memory_space<vmem_shared>> -> memref<640xi32, #tpu.memory_space<vmem_shared>>
          tpu.enqueue_dma source(%dma_start3A_351 : memref<640xi32, #tpu.memory_space<vmem_shared>>) target(%dma_start3A_350 : memref<640xi32, #tpu.memory_space<hbm>>) target_semaphore(%run_scoped3A : memref<!tpu.dma_semaphore, #tpu.memory_space<semaphore_mem>>)
          %dma_wait3A_352 = tpu.memref_slice %arg3[%mul3A_349] : memref<10000xi32, #tpu.memory_space<hbm>> -> memref<640xi32, #tpu.memory_space<hbm>>
          %dma_wait3A_353 = tpu.memref_slice %arg12[%mul3A_347] : memref<10240xi32, #tpu.memory_space<vmem_shared>> -> memref<640xi32, #tpu.memory_space<vmem_shared>>
          tpu.wait_dma2 semaphore(%run_scoped3A : memref<!tpu.dma_semaphore, #tpu.memory_space<semaphore_mem>>) src(%dma_wait3A_353 : memref<640xi32, #tpu.memory_space<vmem_shared>>) dst(%dma_wait3A_352 : memref<640xi32, #tpu.memory_space<hbm>>)
          tpu.yield
        }) : () -> ()
      } else {
      }
      %eq3A_337 = arith.constant 0 : i32
      %eq3A_338 = arith.cmpi eq, %arg0, %eq3A_337 : i32
      %eq3A_339 = arith.constant false
      %eq3A_340 = arith.xori %eq3A_338, %eq3A_339 : i1
      %eq3A_341 = arith.constant true
      %eq3A_342 = arith.xori %eq3A_340, %eq3A_341 : i1
      %convert_element_type3A_343 = arith.extui %eq3A_342 : i1 to i32
      %cond3A_344 = arith.constant 0 : i32
      %cond3A_345 = arith.cmpi ne, %convert_element_type3A_343, %cond3A_344 : i32
      scf.if %cond3A_345 {
        %mul3A_346 = arith.constant 640 : i32
        %mul3A_347 = arith.muli %arg1, %mul3A_346 : i32
        %mul3A_348 = arith.constant 640 : i32
        %mul3A_349 = arith.muli %arg1, %mul3A_348 : i32
        "tpu.region"() ({
          %run_scoped3A = tpu.sem_alloc : memref<!tpu.dma_semaphore, #tpu.memory_space<semaphore_mem>>
          %dma_start3A_350 = tpu.memref_slice %arg4[%mul3A_349] : memref<10000xi32, #tpu.memory_space<hbm>> -> memref<640xi32, #tpu.memory_space<hbm>>
          %dma_start3A_351 = tpu.memref_slice %arg12[%mul3A_347] : memref<10240xi32, #tpu.memory_space<vmem_shared>> -> memref<640xi32, #tpu.memory_space<vmem_shared>>
          tpu.enqueue_dma source(%dma_start3A_351 : memref<640xi32, #tpu.memory_space<vmem_shared>>) target(%dma_start3A_350 : memref<640xi32, #tpu.memory_space<hbm>>) target_semaphore(%run_scoped3A : memref<!tpu.dma_semaphore, #tpu.memory_space<semaphore_mem>>)
          %dma_wait3A_352 = tpu.memref_slice %arg4[%mul3A_349] : memref<10000xi32, #tpu.memory_space<hbm>> -> memref<640xi32, #tpu.memory_space<hbm>>
          %dma_wait3A_353 = tpu.memref_slice %arg12[%mul3A_347] : memref<10240xi32, #tpu.memory_space<vmem_shared>> -> memref<640xi32, #tpu.memory_space<vmem_shared>>
          tpu.wait_dma2 semaphore(%run_scoped3A : memref<!tpu.dma_semaphore, #tpu.memory_space<semaphore_mem>>) src(%dma_wait3A_353 : memref<640xi32, #tpu.memory_space<vmem_shared>>) dst(%dma_wait3A_352 : memref<640xi32, #tpu.memory_space<hbm>>)
          tpu.yield
        }) : () -> ()
      } else {
      }
    } else {
    }
    %eq3A = arith.constant 15 : i32
    %eq3A_324 = arith.cmpi eq, %arg1, %eq3A : i32
    %convert_element_type3A_325 = arith.extui %eq3A_324 : i1 to i32
    %cond3A_326 = arith.constant 0 : i32
    %cond3A_327 = arith.cmpi ne, %convert_element_type3A_325, %cond3A_326 : i32
    scf.if %cond3A_327 {
      %eq3A_328 = arith.constant 0 : i32
      %eq3A_329 = arith.cmpi eq, %arg0, %eq3A_328 : i32
      %eq3A_330 = arith.constant true
      %eq3A_331 = arith.xori %eq3A_329, %eq3A_330 : i1
      %eq3A_332 = arith.constant true
      %eq3A_333 = arith.xori %eq3A_331, %eq3A_332 : i1
      %convert_element_type3A_334 = arith.extui %eq3A_333 : i1 to i32
      %cond3A_335 = arith.constant 0 : i32
      %cond3A_336 = arith.cmpi ne, %convert_element_type3A_334, %cond3A_335 : i32
      scf.if %cond3A_336 {
        "tpu.region"() ({
          %run_scoped3A = tpu.sem_alloc : memref<!tpu.dma_semaphore, #tpu.memory_space<semaphore_mem>>
          %dma_start3A_346 = arith.constant 9600 : i32
          %dma_start3A_347 = tpu.memref_slice %arg3[%dma_start3A_346] : memref<10000xi32, #tpu.memory_space<hbm>> -> memref<400xi32, #tpu.memory_space<hbm>>
          %dma_start3A_348 = arith.constant 9600 : i32
          %dma_start3A_349 = tpu.memref_slice %arg12[%dma_start3A_348] : memref<10240xi32, #tpu.memory_space<vmem_shared>> -> memref<400xi32, #tpu.memory_space<vmem_shared>>
          tpu.enqueue_dma source(%dma_start3A_349 : memref<400xi32, #tpu.memory_space<vmem_shared>>) target(%dma_start3A_347 : memref<400xi32, #tpu.memory_space<hbm>>) target_semaphore(%run_scoped3A : memref<!tpu.dma_semaphore, #tpu.memory_space<semaphore_mem>>)
          %dma_wait3A_350 = arith.constant 9600 : i32
          %dma_wait3A_351 = tpu.memref_slice %arg3[%dma_wait3A_350] : memref<10000xi32, #tpu.memory_space<hbm>> -> memref<400xi32, #tpu.memory_space<hbm>>
          %dma_wait3A_352 = arith.constant 9600 : i32
          %dma_wait3A_353 = tpu.memref_slice %arg12[%dma_wait3A_352] : memref<10240xi32, #tpu.memory_space<vmem_shared>> -> memref<400xi32, #tpu.memory_space<vmem_shared>>
          tpu.wait_dma2 semaphore(%run_scoped3A : memref<!tpu.dma_semaphore, #tpu.memory_space<semaphore_mem>>) src(%dma_wait3A_353 : memref<400xi32, #tpu.memory_space<vmem_shared>>) dst(%dma_wait3A_351 : memref<400xi32, #tpu.memory_space<hbm>>)
          tpu.yield
        }) : () -> ()
      } else {
      }
      %eq3A_337 = arith.constant 0 : i32
      %eq3A_338 = arith.cmpi eq, %arg0, %eq3A_337 : i32
      %eq3A_339 = arith.constant false
      %eq3A_340 = arith.xori %eq3A_338, %eq3A_339 : i1
      %eq3A_341 = arith.constant true
      %eq3A_342 = arith.xori %eq3A_340, %eq3A_341 : i1
      %convert_element_type3A_343 = arith.extui %eq3A_342 : i1 to i32
      %cond3A_344 = arith.constant 0 : i32
      %cond3A_345 = arith.cmpi ne, %convert_element_type3A_343, %cond3A_344 : i32
      scf.if %cond3A_345 {
        "tpu.region"() ({
          %run_scoped3A = tpu.sem_alloc : memref<!tpu.dma_semaphore, #tpu.memory_space<semaphore_mem>>
          %dma_start3A_346 = arith.constant 9600 : i32
          %dma_start3A_347 = tpu.memref_slice %arg4[%dma_start3A_346] : memref<10000xi32, #tpu.memory_space<hbm>> -> memref<400xi32, #tpu.memory_space<hbm>>
          %dma_start3A_348 = arith.constant 9600 : i32
          %dma_start3A_349 = tpu.memref_slice %arg12[%dma_start3A_348] : memref<10240xi32, #tpu.memory_space<vmem_shared>> -> memref<400xi32, #tpu.memory_space<vmem_shared>>
          tpu.enqueue_dma source(%dma_start3A_349 : memref<400xi32, #tpu.memory_space<vmem_shared>>) target(%dma_start3A_347 : memref<400xi32, #tpu.memory_space<hbm>>) target_semaphore(%run_scoped3A : memref<!tpu.dma_semaphore, #tpu.memory_space<semaphore_mem>>)
          %dma_wait3A_350 = arith.constant 9600 : i32
          %dma_wait3A_351 = tpu.memref_slice %arg4[%dma_wait3A_350] : memref<10000xi32, #tpu.memory_space<hbm>> -> memref<400xi32, #tpu.memory_space<hbm>>
          %dma_wait3A_352 = arith.constant 9600 : i32
          %dma_wait3A_353 = tpu.memref_slice %arg12[%dma_wait3A_352] : memref<10240xi32, #tpu.memory_space<vmem_shared>> -> memref<400xi32, #tpu.memory_space<vmem_shared>>
          tpu.wait_dma2 semaphore(%run_scoped3A : memref<!tpu.dma_semaphore, #tpu.memory_space<semaphore_mem>>) src(%dma_wait3A_353 : memref<400xi32, #tpu.memory_space<vmem_shared>>) dst(%dma_wait3A_351 : memref<400xi32, #tpu.memory_space<hbm>>)
          tpu.yield
        }) : () -> ()
      } else {
      }
    } else {
    }
    return
  }
}

module attributes {stable_mosaic.version = 14 : i64} {
  func.func @_copy_body(%arg0: i32, %arg1: memref<2000x128xf32, #tpu.memory_space<vmem>>, %arg2: memref<2000x128xf32, #tpu.memory_space<vmem>>) attributes {dimension_semantics = [#tpu.dimension_semantics<arbitrary>], iteration_bounds = array<i64: 5>, scalar_prefetch = 0 : i64, scratch_operands = 0 : i64, tpu.core_type = #tpu.core_type<tc>, window_params = [{transform_indices = @transform_0, window_bounds = array<i64: 2000, 128>}, {transform_indices = @transform_1, window_bounds = array<i64: 2000, 128>}]} {
    %get3A = arith.constant 0 : index
    %get3A_0 = arith.constant 0 : index
    %get3A_1 = vector.load %arg1[%get3A, %get3A_0] : memref<2000x128xf32, #tpu.memory_space<vmem>>, vector<2000x128xf32>
    %swap3A = arith.constant 0 : index
    %swap3A_2 = arith.constant 0 : index
    %swap3A_3 = vector.load %arg2[%swap3A, %swap3A_2] : memref<2000x128xf32, #tpu.memory_space<vmem>>, vector<2000x128xf32>
    tpu.vector_store %arg2[%swap3A, %swap3A_2], %get3A_1 {strides = array<i32>} : memref<2000x128xf32, #tpu.memory_space<vmem>>, vector<2000x128xf32>,
    return
  }
  func.func @transform_0(%arg0: i32) -> (i32, i32) {
    %c0_i32 = arith.constant 0 : i32
    %c0_i32_0 = arith.constant 0 : i32
    return %arg0, %c0_i32 : i32, i32
  }
  func.func @transform_1(%arg0: i32) -> (i32, i32) {
    %c0_i32 = arith.constant 0 : i32
    %c0_i32_0 = arith.constant 0 : i32
    return %arg0, %c0_i32 : i32, i32
  }
}

</mosaic_0001>

<sc_bundles>
// kernel: kernel.4.cloned.1.call-start
scs
__scs_entry_jumppad:
0x0: {  	(pc) =	sbr.rel $0x88, $3  }
0x1: {  	(tag) =	ssettag $0x0;
	lr =	simm.s32 $0x1  }
0x2: {  	[smem:$0x3F9F] =	sst lr;
	_ =	strace $0xD0000000  }
0x3: {  	_ = 	snop  }
0x4: {  	_ = 	snop  }
0x5: {  	_ = 	snop  }
0x6: {  	_ = 	snop  }
0x7: {  	_ = 	snop  }
__scs_overlays_trampoline_lowered:
0x8: {  	[smem:$0x3FAE] =	sst s0  }
0x9: {  	[smem:$0x3FAF] =	sst s1  }
0xa: {  	[smem:$0x3FB0] =	sst s2  }
0xb: {  	[smem:$0x3FB1] =	sst s3  }
0xc: {  	[smem:$0x3FB2] =	sst s4  }
0xd: {  	[smem:$0x3FB3] =	sst s5  }
0xe: {  	[smem:$0x3FB4] =	sst s6  }
0xf: {  	[smem:$0x3FB5] =	sst s7  }
0x10: {  	[smem:$0x3FB6] =	sst s8  }
0x11: {  	[smem:$0x3FB7] =	sst s9;
	s0 =	simm.s32 @!p0 $0x0  }
0x12: {  	s1 =	sld [smem:$0x3F9D];
	s0 =	simm.s32 @p0 $0x1  }
0x13: {  	[smem:$0x3FB8] =	sst s0;
	s0 =	simm.s32 @!p1 $0x0  }
0x14: {  	s2 =	sld [smem:$0x3F9C];
	s0 =	simm.s32 @p1 $0x1  }
0x15: {  	[smem:$0x3FB9] =	sst s0;
	s0 =	simm.s32 @!p2 $0x0  }
0x16: {  	s3 =	sld [smem:$0x3FDB];
	s0 =	simm.s32 @p2 $0x1  }
0x17: {  	s4 =	simm.s32 $0x1BF5;
	[smem:$0x3FBB] =	sst s0  }
0x18: {  	s0 =	sld [smem:$0x3F9E];
	_ =	swait.ge [sflag:s4], $0x0  }
0x19: {  	s7 =	sld [smem:$0x3F9F]  }
0x1a: {  	s8 =	sadd.s32 $0xFFFFE003, lr  }
0x1b: {  	s9 =	sadd.s32 $0xFFFFFEF7, lr;
	s5 =	simm.s32 $0xFFFFFFFF;
	p2 =	slt.u32 s8, $0xFFFFF086  }
0x1c: {  	p1 =	slt.u32 s9, $0xF7A;
	s5 =	simm.s32 @!p2 $0x0  }
0x1d: {  	s5 =	simm.s32 @p1 $0x1;
	p0 =	seq.s32 s7, s2  }
0x1e: {  	s7 =	smul.u32 @!p0 $0xF7A, s2;
	p2 =	seq.s32 @!p0 s5, $0x0  }
0x1f: {  	s9 =	smul.u32 $0xF7A, s1;
	s8 =	simm.s32 @!p0 $0x1BF5;
	p2 =	por !p2, p0  }
0x20: {  	[sflag:s8] =	ssyncset.s32 @!p0 $0xFFFFF086;
	s6 =	sadd.s32 @!p0 s3, s7;
	s7 =	simm.s32 @!p0 $0x108  }
0x21: {  	s3 =	sadd.s32 s3, s9;
	s6 =	sadd.s32 @!p0 $0x88, s6;
	s7 =	simm.s32 @p2 $0x1082  }
0x22: {  	[simem:s7], [sflag:s8] =	dma.local @!p0 [hbm:s6], $0xF7A  }
0x23: {  	s9 =	sor.u32 $0xD0000000, s2;
	s6 =	simm.s32 $0x108;
	_ =	swait.ge @!p0 [sflag:s8], $0x0  }
0x24: {  	s3 =	sadd.s32 $0x88, s3;
	s6 =	simm.s32 @!p1 $0x1082;
	[sflag:s4] =	ssyncset.s32 $0xFFFFF086  }
0x25: {  	[simem:s6], [sflag:s4] =	dma.local [hbm:s3], $0xF7A  }
0x26: {  	[smem:$0x3F9F] =	sst s1;
	(tag) =	ssettag s2;
	_ =	strace s9  }
0x27: {  	s1 =	sld [smem:$0x3FAF]  }
0x28: {  	s2 =	sld [smem:$0x3FB0]  }
0x29: {  	s4 =	sld [smem:$0x3FB2]  }
0x2a: {  	p0 =	seq.s32 s5, $0x0;
	s5 =	sld [smem:$0x3FB3]  }
0x2b: {  	s6 =	sld [smem:$0x3FB4]  }
0x2c: {  	s7 =	sld [smem:$0x3FB5]  }
0x2d: {  	s3 =	simm.s32 $0x108;
	s8 =	sld [smem:$0x3FB6]  }
0x2e: {  	s3 =	simm.s32 @!p0 $0x1082;
	s9 =	sld [smem:$0x3FB7]  }
0x2f: {  	lr =	sadd.s32 s0, s3;
	s0 =	sld [smem:$0x3FAE]  }
0x30: {  	s3 =	sld [smem:$0x3FB1]  }
0x31: {  	[smem:$0x3FBA] =	sst s10  }
0x32: {  	s10 =	sld [smem:$0x3FB8];
	_ =	sdelay $0x3  }
0x33: {  	p0 =	seq.s32 s10, $0x1;
	s10 =	sld [smem:$0x3FBA];
	_ =	sdelay $0x3  }
0x34: {  	[smem:$0x3FBA] =	sst s10  }
0x35: {  	s10 =	sld [smem:$0x3FB9];
	_ =	sdelay $0x3  }
0x36: {  	p1 =	seq.s32 s10, $0x1;
	s10 =	sld [smem:$0x3FBA];
	_ =	sdelay $0x3  }
0x37: {  	[smem:$0x3FBA] =	sst s10  }
0x38: {  	s10 =	sld [smem:$0x3FBB]  }
0x39: {  	_ = 	snop;
	(pc) =	sbr.ind lr, $3  }
0x3a: {  	_ = 	snop  }
0x3b: {  	_ = 	snop  }
0x3c: {  	p2 =	seq.s32 s10, $0x1;
	s10 =	sld [smem:$0x3FBA]  }
0x3d: {  	_ =	shalt  }
0x3e: {  	_ =	shalt  }
0x3f: {  	_ =	shalt  }
0x40: {  	_ =	shalt  }
0x41: {  	_ =	shalt  }
0x42: {  	_ =	shalt  }
0x43: {  	_ =	shalt  }
0x44: {  	_ =	shalt  }
0x45: {  	_ =	shalt  }
0x46: {  	_ =	shalt  }
0x47: {  	_ =	shalt  }
0x48: {  	_ =	shalt  }
0x49: {  	_ =	shalt  }
0x4a: {  	_ =	shalt  }
0x4b: {  	_ =	shalt  }
0x4c: {  	_ =	shalt  }
0x4d: {  	_ =	shalt  }
0x4e: {  	_ =	shalt  }
0x4f: {  	_ =	shalt  }
0x50: {  	_ =	shalt  }
0x51: {  	_ =	shalt  }
0x52: {  	_ =	shalt  }
0x53: {  	_ =	shalt  }
0x54: {  	_ =	shalt  }
0x55: {  	_ =	shalt  }
0x56: {  	_ =	shalt  }
0x57: {  	_ =	shalt  }
0x58: {  	_ =	shalt  }
0x59: {  	_ =	shalt  }
0x5a: {  	_ =	shalt  }
0x5b: {  	_ =	shalt  }
0x5c: {  	_ =	shalt  }
0x5d: {  	_ =	shalt  }
0x5e: {  	_ =	shalt  }
0x5f: {  	_ =	shalt  }
0x60: {  	_ =	shalt  }
0x61: {  	_ =	shalt  }
0x62: {  	_ =	shalt  }
0x63: {  	_ =	shalt  }
0x64: {  	_ =	shalt  }
0x65: {  	_ =	shalt  }
0x66: {  	_ =	shalt  }
0x67: {  	_ =	shalt  }
0x68: {  	_ =	shalt  }
0x69: {  	_ =	shalt  }
0x6a: {  	_ =	shalt  }
0x6b: {  	_ =	shalt  }
0x6c: {  	_ =	shalt  }
0x6d: {  	_ =	shalt  }
0x6e: {  	_ =	shalt  }
0x6f: {  	_ =	shalt  }
0x70: {  	_ =	shalt  }
0x71: {  	_ =	shalt  }
0x72: {  	_ =	shalt  }
0x73: {  	_ =	shalt  }
0x74: {  	_ =	shalt  }
0x75: {  	_ =	shalt  }
0x76: {  	_ =	shalt  }
0x77: {  	_ =	shalt  }
0x78: {  	_ =	shalt  }
0x79: {  	_ =	shalt  }
0x7a: {  	_ =	shalt  }
0x7b: {  	_ =	shalt  }
0x7c: {  	_ =	shalt  }
0x7d: {  	_ =	shalt  }
0x7e: {  	_ =	shalt  }
0x7f: {  	_ =	shalt  }
0x80: {  	_ =	shalt  }
0x81: {  	_ =	shalt  }
0x82: {  	_ =	shalt  }
0x83: {  	_ =	shalt  }
0x84: {  	_ =	shalt  }
0x85: {  	_ =	shalt  }
0x86: {  	_ =	shalt  }
0x87: {  	_ =	shalt  }
.Lfunc_end0:
.L_simem_size_0:
called_computation_lowered:
.L_overlay_start_0:
0x88: {  	s2 =	sld [smem:$0x3FD9]  }
0x89: {  	s3 =	sld [smem:$0x3FFE];
	_ =	sdelay $0x1  }
0x8a: {  	s1 =	srdreg.scid  }
0x8b: {  	s0 =	sand.u32 $0x1, s1  }
0x8c: {  	s14 =	sshll.u32 s0, $0xA;
	s2 =	sadd.s32 s3, s2  }
0x8d: {  	s2 =	sadd.s32 s2, s14  }
0x8e: {  	[smem:$0x3FC6] =	sst s2  }
0x8f: {  	_ = 	snop  }
0x90: {  	s2 =	sld [smem:$0x3FD0];
	_ =	sdelay $0x2  }
0x91: {  	s15 =	simm.s32 $0xA;
	s4 =	simm.s32 $0x10  }
0x92: {  	[smem:s4], [sflag:s15] =	dma.local [hbm:s2], $0x1  }
0x93: {  	_ =	swait.eq [sflag:s15], $0x1  }
0x94: {  	[sflag:s15] =	ssyncset.done $0x0  }
0x95: {  	s16 =	sld [smem:$0x11];
	[sflag:s15] =	ssyncadd.s32 $0xFFFFFFFF  }
0x96: {  	s17 =	sld [smem:$0x12];
	(tm) =	ssettm $0x1  }
0x97: {  	s18 =	sld [smem:$0x3FFB];
	_ =	sdelay $0x3  }
0x98: {  	_ =	strace s18  }
0x99: {  	s4 =	sld [smem:$0x3FFC];
	_ =	sdelay $0x3  }
0x9a: {  	_ =	strace s4  }
0x9b: {  	s4 =	sld [smem:$0x3FFD];
	_ =	sdelay $0x3  }
0x9c: {  	_ =	strace s4  }
0x9d: {  	_ =	strace $0x8FFFFFFF  }
0x9e: {  	s19 =	sld [smem:$0x3FDB];
	_ =	sdelay $0x1  }
0x9f: {  	s5 =	simm.s32 $_scs_section_size  }
0xa0: {  	s6 =	simm.s32 $_size__tile_overlayer_lowered;
	s7 =	simm.s32 $_tile_overlayer_lowered  }
0xa1: {  	s22 =	simm.s32 $0x1BFF;
	s21 =	sshll.u32 s7, $0x1;
	s4 =	sadd.s32 s5, s19  }
0xa2: {  	s8 =	simm.s32 $0x0;
	s20 =	sshll.u32 s6, $0x1;
	s6 =	sadd.s32 s21, s4  }
0xa3: {  	[timem:s8], [sflag:s22] =	dma.local [hbm:s6], s20  }
0xa4: {  	_ =	swait.ge [sflag:s22], s20  }
0xa5: {  	s5 =	ssub.s32 $0x0, s20;
	[sflag:s22] =	ssyncset.done $0x0  }
0xa6: {  	[sflag:s22] =	ssyncadd.s32 s5;
	_ =	sdelay $0x1  }
0xa7: {  	s23 =	simm.s32 $0x1B8B  }
0xa8: {  	_ =	swait.ge [sflag:s23], $0x1  }
0xa9: {  	[sflag:s23] =	ssyncset.done $0x0  }
0xaa: {  	s25 =	simm.s32 $0x1B8E;
	s24 =	sld [smem:$0x3FFE];
	[sflag:s23] =	ssyncadd.s32 $0xFFFFFFFF  }
0xab: {  	s26 =	simm.s32 $execute0_lowered;
	[smem:$0x3FD2] =	sst s25  }
0xac: {  	s6 =	sshll.u32 s26, $0x1;
	_ =	strace $0x80000046;
	[dreg:$0x1] =	wrdreg $0xFFFFFFFF  }
0xad: {  	s28 =	simm.s32 $_size_execute0_lowered;
	s4 =	sadd.s32 s4, s6;
	[dreg:$0x0] =	wrdreg $0x0  }
0xae: {  	s6 =	sshll.u32 s28, $0x1;
	[dreg:$0x2] =	wrdreg s4  }
0xaf: {  	[dreg:$0x3] =	wrdreg s6  }
0xb0: {  	[dreg:$0x4] =	wrdreg $0xC0  }
0xb1: {  	_ =	task [dreg:s8], $0x5FFFF  }
0xb2: {  	[dreg:$0x1] =	wrdreg $0xFFFFFFFF  }
0xb3: {  	[dreg:$0x0] =	wrdreg $0x60  }
0xb4: {  	[dreg:$0x2] =	wrdreg s24  }
0xb5: {  	[dreg:$0x3] =	wrdreg s17  }
0xb6: {  	[dreg:$0x4] =	wrdreg s16  }
0xb7: {  	[dreg:$0x5] =	wrdreg $0x60400  }
0xb8: {  	[dreg:$0x6] =	wrdreg $0x9  }
0xb9: {  	_ =	task.clear_ibuf [dreg:s8], $0x7FFFF;
	_ =	strace $0x90000046  }
0xba: {  	s29 =	simm.s32 $0x9;
	_ =	strace $0x80000048  }
0xbb: {  	_ =	swait.ge [sflag:s29], $0x1  }
0xbc: {  	[sflag:s29] =	ssyncadd.s32 $0xFFFFFFFF  }
0xbd: {  	_ =	strace $0x90000048  }
0xbe: {  	_ =	sfence  }
0xbf: {  	s30 =	sld [smem:$0x0];
	_ =	sdelay $0x2  }
0xc0: {  	s31 =	sshll.u32 s1, $0xD;
	s1 =	sshrl.u32 s1, $0x2  }
0xc1: {  	s3 =	sand.u32 $0x4000, s31;
	s1 =	sadd.s32 s1, s30  }
0xc2: {  	s0 =	sor.u32 s3, s0;
	s1 =	sshll.u32 s1, $0x11  }
0xc3: {  	s0 =	sor.u32 s1, s0  }
0xc4: {  	s0 =	sadd.s32 $0x8F2B, s0  }
0xc5: {  	[sflag:s0] =	ssyncadd.remote.s32 $0x1  }
0xc6: {  	_ =	sfence.sel $0xFFFF  }
0xc7: {  	[dreg:$0x0] =	wrdreg $0xFFFFFFFF;
	(pc) =	sbr.abs _section_cstart, $3  }
0xc8: {  	[dreg:$0x1] =	wrdreg $0xFFFFFFFF  }
0xc9: {  	_ =	task.clear_ibuf [dreg:s8], $0x2FFFF;
	_ =	strace $0x9FFFFFFF  }
0xca: {  	(tm) =	ssettm $0x7FFFFFFF  }
0xcb: {  	_ =	shalt  }
tec
execute0_lowered:
.L_overlay_start_1:
0x0: {  	(tag) =	ssettag $0x1  }
0x1: {  	s4 =	rddreg [dreg:$0x0]  }
0x2: {  	s14 =	rddreg [dreg:$0x1];
	s1 =	srdreg.scid  }
0x3: {  	s0 =	stileid.u32;
	s12 =	rddreg [dreg:$0x2]  }
0x4: {  	s2 =	rddreg [dreg:$0x3];
	s3 =	simm.s32 $0x0;
	s16 =	simm.s32 $0xFA0  }
0x5: {  	s17 =	simm.s32 $0x1F40;
	s18 =	simm.s32 $0x2EE0;
	s19 =	simm.s32 $0x3E80  }
0x6: {  	s20 =	simm.s32 $0x5DC0;
	s21 =	simm.s32 $0x3;
	s22 =	simm.s32 $0x1  }
0x7: {  	s23 =	simm.s32 $0x4E20;
	s25 =	sand.u32 $0x1, s1;
	s1 =	rddreg [dreg:$0x4]  }
0x8: {  	s24 =	simm.s32 $0x2;
	s5 =	smul.u32 $0x4E20, s0;
	[smem:$0x7FF] =	sst s3  }
0x9: {  	s9 =	smul.u32 $0x280, s0;
	s13 =	sadd.s32 $0x2580, s2;
	p3 =	seq.s32 s0, $0xF  }
0xa: {  	s6 =	smul.u32 $0x4E200, s25;
	s31 =	ssub.s32 $0x2, s25;
	_ =	strace $0x80000047  }
0xb: {  	p1 =	sne.s32 @p3 s25, $0x0;
	p4 =	sne.s32 @!p3 s25, $0x0;
	s25 =	simm.s32 $0x0  }
0xc: {  	s7 =	sshrl.u32 s31, $0x1;
	s11 =	sshrl.u32 s9, $0x3;
	s9 =	sadd.s32 s9, s2  }
0xd: {  	p0 =	por !p1, !p3;
	p1 =	por p1, !p3;
	p2 =	por !p4, p3  }
0xe: {  	p3 =	por p4, p3;
	s5 =	sadd.s32 s5, s6;
	s15 =	ssub.s32 s31, s7  }
0xf: {  	s10 =	sadd.s32 s12, s11;
	s11 =	sadd.s32 s14, s11;
	s5 =	sshrl.u32 s5, $0x3  }
0x10: {  	s12 =	sadd.s32 $0x4B0, s12;
	s14 =	sadd.s32 $0x4B0, s14;
	s8 =	sadd.s32 s5, s4  }
0x11: {  	s15 =	smax.u32 s15, $0x1;
	s4 =	sadd.s32 $0x1000, s8;
	s5 =	sadd.s32 $0x11F4, s8  }
0x12: {  	v0 =	vimm.s32 $0x1;
	v1 =	vimm.s32 $0x0;
	s6 =	sadd.s32 $0x13E8, s8;
	s7 =	sadd.s32 $0x15DC, s8;
	s8 =	sadd.s32 $0x17D0, s8  }
.LBB2_1:
0x13: {  	[tilespmem:s3], [sflag:$0x1] =	stream.linear.gather [hbm4b:s4+s3], $0xFA0, $0x38;
	[tilespmem:$0x62C0] =	vst v63  }
0x14: {  	_ = 	snop  }
0x15: {  	[tilespmem:s16], [sflag:$0x1] =	stream.linear.gather [hbm4b:s5+s3], $0xFA0, $0x38;
	[tilespmem:$0x62C0] =	vst v63  }
0x16: {  	_ = 	snop  }
0x17: {  	[tilespmem:s17], [sflag:$0x1] =	stream.linear.gather [hbm4b:s6+s3], $0xFA0, $0x38;
	[tilespmem:$0x62C0] =	vst v63  }
0x18: {  	_ = 	snop  }
0x19: {  	[tilespmem:s18], [sflag:$0x1] =	stream.linear.gather [hbm4b:s7+s3], $0xFA0, $0x38;
	[tilespmem:$0x62C0] =	vst v63  }
0x1a: {  	s26 =	simm.s32 $0x40;
	s28 =	simm.s32 $0x0  }
0x1b: {  	[tilespmem:s19], [sflag:$0x1] =	stream.linear.gather [hbm4b:s8+s3], $0xFA0, $0x38;
	[tilespmem:$0x62C0] =	vst v63  }
.LBB2_2:
0x1c: {  	p4 =	sne.s32 s26, $0x3E40;
	[tilespmem:s28+$0x4E20] =	vst v0;
	s28 =	smov.u32 s26;
	s26 =	sadd.s32 $0x40, s26  }
.Ltmp0:
0x1d: {  	(pc) =	sbr.rel @p4 .LBB2_2-.Ltmp0, $2  }
0x1e: {  	_ =	sdelay $0x2  }
0x1f: {  	s28 =	sshra.s32 s28, $0x2  }
0x20: {  	[tilespmem:s28+$0x4E20] =	vst v0  }
0x21: {  	[tilespmem:$0x5DC0] =	vst v1  }
0x22: {  	[tilespmem:$0x5DD0] =	vst v1  }
0x23: {  	[tilespmem:$0x5DE0] =	vst v1  }
0x24: {  	[tilespmem:$0x5DF0] =	vst v1  }
0x25: {  	[tilespmem:$0x5E00] =	vst v1  }
0x26: {  	[tilespmem:$0x5E10] =	vst v1  }
0x27: {  	[tilespmem:$0x5E20] =	vst v1  }
0x28: {  	[tilespmem:$0x5E30] =	vst v1  }
0x29: {  	[tilespmem:$0x5E40] =	vst v1  }
0x2a: {  	[tilespmem:$0x5E50] =	vst v1  }
0x2b: {  	[tilespmem:$0x5E60] =	vst v1  }
0x2c: {  	[tilespmem:$0x5E70] =	vst v1  }
0x2d: {  	[tilespmem:$0x5E80] =	vst v1  }
0x2e: {  	[tilespmem:$0x5E90] =	vst v1  }
0x2f: {  	[tilespmem:$0x5EA0] =	vst v1  }
0x30: {  	[tilespmem:$0x5EB0] =	vst v1  }
0x31: {  	[tilespmem:$0x5EC0] =	vst v1  }
0x32: {  	[tilespmem:$0x5ED0] =	vst v1  }
0x33: {  	[tilespmem:$0x5EE0] =	vst v1  }
0x34: {  	[tilespmem:$0x5EF0] =	vst v1  }
0x35: {  	[tilespmem:$0x5F00] =	vst v1  }
0x36: {  	[tilespmem:$0x5F10] =	vst v1  }
0x37: {  	[tilespmem:$0x5F20] =	vst v1  }
0x38: {  	[tilespmem:$0x5F30] =	vst v1  }
0x39: {  	[tilespmem:$0x5F40] =	vst v1  }
0x3a: {  	[tilespmem:$0x5F50] =	vst v1  }
0x3b: {  	[tilespmem:$0x5F60] =	vst v1  }
0x3c: {  	[tilespmem:$0x5F70] =	vst v1  }
0x3d: {  	[tilespmem:$0x5F80] =	vst v1  }
0x3e: {  	[tilespmem:$0x5F90] =	vst v1  }
0x3f: {  	[tilespmem:$0x5FA0] =	vst v1  }
0x40: {  	[tilespmem:$0x5FB0] =	vst v1  }
0x41: {  	[tilespmem:$0x5FC0] =	vst v1  }
0x42: {  	[tilespmem:$0x5FD0] =	vst v1  }
0x43: {  	[tilespmem:$0x5FE0] =	vst v1  }
0x44: {  	[tilespmem:$0x5FF0] =	vst v1  }
0x45: {  	[tilespmem:$0x6000] =	vst v1  }
0x46: {  	[tilespmem:$0x6010] =	vst v1  }
0x47: {  	[tilespmem:$0x6020] =	vst v1  }
0x48: {  	[tilespmem:$0x6030] =	vst v1  }
0x49: {  	[spmem:s9] =	stream.linear.scatter [tilespmem:s20], [sflag:$0x3], $0x280, $0x38;
	[tilespmem:$0x62C0] =	vst v63  }
0x4a: {  	_ =	swait.ge [sflag:s21], $0x280  }
0x4b: {  	[sflag:s21] =	ssyncset.done $0x0  }
0x4c: {  	[sflag:s21] =	ssyncadd.s32 $0xFFFFFD80  }
0x4d: {  	[bflag:$0x0] =	sbarrier.arrive $0xFFFF  }
0x4e: {  	_ =	swait.ge [sflag:s22], $0xFA0  }
0x4f: {  	[sflag:s22] =	ssyncset.done $0x0  }
0x50: {  	[sflag:s22] =	ssyncadd.s32 $0xFFFFF060  }
0x51: {  	[spmem:s2] =	stream.indirect.scatter.add.s32 [tilespmem:s23], [sflag:$0x2], $0x1, s3, s16, $0xb8;
	[tilespmem:$0x62C0] =	vst v63  }
0x52: {  	_ =	swait.ge [sflag:s22], $0xFA0  }
0x53: {  	[sflag:s22] =	ssyncset.done $0x0  }
0x54: {  	[sflag:s22] =	ssyncadd.s32 $0xFFFFF060  }
0x55: {  	[spmem:s2] =	stream.indirect.scatter.add.s32 [tilespmem:s23], [sflag:$0x2], $0x1, s16, s16, $0xb8;
	[tilespmem:$0x62C0] =	vst v63  }
0x56: {  	_ =	swait.ge [sflag:s22], $0xFA0  }
0x57: {  	[sflag:s22] =	ssyncset.done $0x0  }
0x58: {  	[sflag:s22] =	ssyncadd.s32 $0xFFFFF060  }
0x59: {  	[spmem:s2] =	stream.indirect.scatter.add.s32 [tilespmem:s23], [sflag:$0x2], $0x1, s17, s16, $0xb8;
	[tilespmem:$0x62C0] =	vst v63  }
0x5a: {  	_ =	swait.ge [sflag:s22], $0xFA0  }
0x5b: {  	[sflag:s22] =	ssyncset.done $0x0  }
0x5c: {  	[sflag:s22] =	ssyncadd.s32 $0xFFFFF060  }
0x5d: {  	[spmem:s2] =	stream.indirect.scatter.add.s32 [tilespmem:s23], [sflag:$0x2], $0x1, s18, s16, $0xb8;
	[tilespmem:$0x62C0] =	vst v63  }
0x5e: {  	_ =	swait.ge [sflag:s22], $0xFA0  }
0x5f: {  	[sflag:s22] =	ssyncset.done $0x0  }
0x60: {  	[sflag:s22] =	ssyncadd.s32 $0xFFFFF060  }
0x61: {  	[spmem:s2] =	stream.indirect.scatter.add.s32 [tilespmem:s23], [sflag:$0x2], $0x1, s19, s16, $0xb8;
	[tilespmem:$0x62C0] =	vst v63  }
0x62: {  	_ =	swait.ge [sflag:s24], $0xFA0  }
0x63: {  	[sflag:s24] =	ssyncset.done $0x0  }
0x64: {  	[sflag:s24] =	ssyncadd.s32 $0xFFFFF060  }
0x65: {  	_ =	swait.ge [sflag:s24], $0xFA0  }
0x66: {  	[sflag:s24] =	ssyncset.done $0x0  }
0x67: {  	[sflag:s24] =	ssyncadd.s32 $0xFFFFF060  }
0x68: {  	_ =	swait.ge [sflag:s24], $0xFA0  }
0x69: {  	[sflag:s24] =	ssyncset.done $0x0  }
0x6a: {  	[sflag:s24] =	ssyncadd.s32 $0xFFFFF060  }
0x6b: {  	_ =	swait.ge [sflag:s24], $0xFA0  }
0x6c: {  	[sflag:s24] =	ssyncset.done $0x0  }
0x6d: {  	[sflag:s24] =	ssyncadd.s32 $0xFFFFF060  }
0x6e: {  	_ =	swait.ge [sflag:s24], $0xFA0  }
0x6f: {  	[sflag:s24] =	ssyncset.done $0x0  }
0x70: {  	[sflag:s24] =	ssyncadd.s32 $0xFFFFF060  }
0x71: {  	s26 =	sshrl.u32 @!p0 s13, $0x3;
	s28 =	simm.s32 @!p0 $0x1FC3;
	[bflag:$0x0] =	sbarrier.arrive $0xFFFF  }
0x72: {  	[hbm:s12], [sflag:s28] =	dma.local @!p0 [spmem:s26], $0x32  }
0x73: {  	s26 =	simm.s32 @!p0 $0x3  }
0x74: {  	_ =	swait.ge @!p0 [sflag:s26], $0x32  }
0x75: {  	[sflag:s26] =	ssyncset.done @!p0 $0x0  }
0x76: {  	s28 =	simm.s32 @!p1 $0x1FC3;
	[sflag:s26] =	ssyncadd.s32 @!p0 $0xFFFFFFCE;
	s26 =	sshrl.u32 @!p1 s13, $0x3  }
0x77: {  	[hbm:s14], [sflag:s28] =	dma.local @!p1 [spmem:s26], $0x32  }
0x78: {  	s26 =	simm.s32 @!p1 $0x3  }
0x79: {  	_ =	swait.ge @!p1 [sflag:s26], $0x32  }
0x7a: {  	s28 =	sshll.u32 @!p2 s0, $0x6;
	[sflag:s26] =	ssyncset.done @!p1 $0x0  }
0x7b: {  	[sflag:s26] =	ssyncadd.s32 @!p1 $0xFFFFFFCE;
	s26 =	sor.u32 @!p2 $0x1C03, s28;
	s28 =	sshrl.u32 @!p2 s9, $0x3  }
0x7c: {  	[hbm:s10], [sflag:s26] =	dma.local @!p2 [spmem:s28], $0x50  }
0x7d: {  	s26 =	simm.s32 @!p2 $0x3  }
0x7e: {  	s25 =	sadd.s32 $0x1, s25;
	_ =	swait.ge @!p2 [sflag:s26], $0x50  }
0x7f: {  	p4 =	sne.s32 s25, s15;
	s28 =	sshll.u32 @!p3 s0, $0x6;
	[sflag:s26] =	ssyncset.done @!p2 $0x0  }
0x80: {  	[sflag:s26] =	ssyncadd.s32 @!p2 $0xFFFFFFB0;
	s26 =	sor.u32 @!p3 $0x1C03, s28;
	s28 =	sshrl.u32 @!p3 s9, $0x3  }
0x81: {  	[hbm:s11], [sflag:s26] =	dma.local @!p3 [spmem:s28], $0x50  }
.Ltmp1:
0x82: {  	_ = 	snop;
	(pc) =	sbr.rel @p4 .LBB2_1-.Ltmp1, $4  }
0x83: {  	s26 =	simm.s32 @!p3 $0x3  }
0x84: {  	_ =	swait.ge @!p3 [sflag:s26], $0x50  }
0x85: {  	[sflag:s26] =	ssyncset.done @!p3 $0x0  }
0x86: {  	[sflag:s26] =	ssyncadd.s32 @!p3 $0xFFFFFFB0  }
0x87: {  	_ =	sfence.sel $0x180000  }
0x88: {  	[bflag:$0x0] =	sbarrier.arrive $0xFFFF  }
0x89: {  	p0 =	sne.s32 s0, $0x0;
	_ =	strace $0x90000047  }
0x8a: {  	s0 =	sadd.s32 @!p0 $0x100000, s1;
	[bflag:$0x2] =	sbarrier.arrive $0xFFFF  }
0x8b: {  	[sflag:s0] =	ssyncadd.tile.s32 @!p0 $0x1;
	_ =	shalt  }
.Lfunc_end2:
_tile_overlayer_lowered:
.L_overlay_start_2:
0x8c: {  	(tag) =	ssettag $0x2  }
0x8d: {  	s0 =	rddreg [dreg:$0x0];
	s2 =	stileid.u32  }
0x8e: {  	s1 =	rddreg [dreg:$0x1];
	p0 =	sne.s32 s2, $0x0  }
0x8f: {  	s3 =	rddreg [dreg:$0x2];
	[bflag:$0x3] =	sbarrier.arrive $0xFFFF;
	s2 =	simm.s32 @!p0 $0x1C03  }
0x90: {  	[timem:s3], [sflag:s2] =	dma.local @!p0 [hbm:s0], s1  }
0x91: {  	s0 =	simm.s32 @!p0 $0x3  }
0x92: {  	_ =	swait.ge @!p0 [sflag:s0], s1  }
0x93: {  	s1 =	ssub.s32 @!p0 $0x0, s1;
	[sflag:s0] =	ssyncset.done @!p0 $0x0  }
0x94: {  	[sflag:s0] =	ssyncadd.s32 @!p0 s1  }
0x95: {  	[bflag:$0x3] =	sbarrier.arrive $0xFFFF  }
0x96: {  	_ =	shalt  }

</sc_bundles>
